<compile_context>
chip_gen: v7x
topology: tpu7x:2x2x1
jax: 0.10.2.dev20260603
libtpu: 0.0.44.dev20260713+nightly
codegen_flags: <defaults>
</compile_context>

<pallas_src>
import functools

import jax
import jax.numpy as jnp
from jax import lax
from jax.experimental import pallas as pl
from jax.experimental.pallas import tpu as pltpu
from jax.experimental.pallas import tpu_sc as plsc

K = 16
H = 4
BQ = 256
CCH = 2048
NPAD = 51200
NROWPAD = 50176
BIG_I32 = 2147483647
INF_F32 = float("inf")


def _prep_body(f_ref, c_ref, w_ref, o_ref):
    cx = c_ref[:, 0:1]
    cy = c_ref[:, 1:2]
    cz = c_ref[:, 2:3]
    proj = cx * w_ref[0:1, :] + cy * w_ref[1:2, :] + cz * w_ref[2:3, :]
    o_ref[...] = f_ref[...] - proj


def _prep(feats_pad, coords_pad, Wrel):
    n = feats_pad.shape[0]
    d = feats_pad.shape[1]
    nb = n // 512
    return pl.pallas_call(
        _prep_body,
        grid=(nb,),
        in_specs=[
            pl.BlockSpec((512, d), lambda i: (i, 0)),
            pl.BlockSpec((512, 3), lambda i: (i, 0)),
            pl.BlockSpec((3, d), lambda i: (0, 0)),
        ],
        out_specs=pl.BlockSpec((512, d), lambda i: (i, 0)),
        out_shape=jax.ShapeDtypeStruct((n, d), jnp.float32),
    )(feats_pad, coords_pad, Wrel)


def _extract_topk(vals, pos, k):
    out_v, out_i = [], []
    for _ in range(k):
        m = jnp.min(vals, axis=1, keepdims=True)
        pm = jnp.min(jnp.where(vals == m, pos, BIG_I32), axis=1, keepdims=True)
        out_v.append(m)
        out_i.append(pm)
        vals = jnp.where(pos == pm, INF_F32, vals)
    return jnp.concatenate(out_v, axis=1), jnp.concatenate(out_i, axis=1)


def _knn_body(q_ref, ct_ref, o_ref, bval, bidx):
    j = pl.program_id(1)

    @pl.when(j == 0)
    def _():
        bval[...] = jnp.full((BQ, K), INF_F32, jnp.float32)
        bidx[...] = jnp.full((BQ, K), BIG_I32, jnp.int32)

    cx = ct_ref[0:1, :]
    cy = ct_ref[1:2, :]
    cz = ct_ref[2:3, :]
    qx = q_ref[:, 0:1]
    qy = q_ref[:, 1:2]
    qz = q_ref[:, 2:3]
    c2 = cx * cx + cy * cy + cz * cz
    q2 = qx * qx + qy * qy + qz * qz
    dot = jnp.dot(q_ref[...], ct_ref[0:3, :],
                  preferred_element_type=jnp.float32)
    d2 = jnp.sqrt(jnp.maximum(q2 + c2 - 2.0 * dot, 0.0))
    pos = lax.broadcasted_iota(jnp.int32, (BQ, CCH), 1) + j * CCH

    nv, ni = _extract_topk(d2, pos, K)

    cand_v = jnp.concatenate([bval[...], nv], axis=1)
    cand_i = jnp.concatenate([bidx[...], ni], axis=1)
    mv, mi = _extract_topk(cand_v, cand_i, K)
    bval[...] = mv
    bidx[...] = mi

    @pl.when(j == NPAD // CCH - 1)
    def _():
        o_ref[...] = bidx[...]


def _knn(q, ct):
    nq = q.shape[0]
    return pl.pallas_call(
        _knn_body,
        grid=(nq // BQ, NPAD // CCH),
        in_specs=[
            pl.BlockSpec((BQ, 3), lambda i, j: (i, 0)),
            pl.BlockSpec((8, CCH), lambda i, j: (0, j)),
        ],
        out_specs=pl.BlockSpec((BQ, K), lambda i, j: (i, 0)),
        out_shape=jax.ShapeDtypeStruct((nq, K), jnp.int32),
        scratch_shapes=[
            pltpu.VMEM((BQ, K), jnp.float32),
            pltpu.VMEM((BQ, K), jnp.int32),
        ],
    )(q, ct)


NC_SC = 2
NS_SC = 16
NW_SC = NC_SC * NS_SC


def _gather(idx_flat, table):
    b = idx_flat.shape[0]
    d = table.shape[1]
    b_per_w = b // NW_SC
    n_sub = b_per_w // 128
    mesh = plsc.VectorSubcoreMesh(core_axis_name="c", subcore_axis_name="s")

    @functools.partial(
        pl.kernel,
        mesh=mesh,
        out_type=jax.ShapeDtypeStruct((b, d), jnp.float32),
        scratch_types=[
            pltpu.VMEM((b_per_w,), jnp.int32),
            pltpu.VMEM((128, d), jnp.float32),
            pltpu.VMEM((128, d), jnp.float32),
            pltpu.SemaphoreType.DMA,
            pltpu.SemaphoreType.DMA,
        ],
    )
    def gk(idx_hbm, t_hbm, out_hbm, idx_v, rows0, rows1, sem0, sem1):
        wid = lax.axis_index("s") * NC_SC + lax.axis_index("c")
        base = wid * b_per_w
        pltpu.sync_copy(idx_hbm.at[pl.ds(base, b_per_w)], idx_v)
        rows = (rows0, rows1)
        sems = (sem0, sem1)
        cps = [None, None]
        for c in range(n_sub):
            s = c % 2
            cps[s] = pltpu.async_copy(
                t_hbm.at[idx_v.at[pl.ds(c * 128, 128)]], rows[s], sems[s])
            if c > 0:
                cps[1 - s].wait()
                pltpu.sync_copy(rows[1 - s],
                                out_hbm.at[pl.ds(base + (c - 1) * 128, 128)])
        cps[(n_sub - 1) % 2].wait()
        pltpu.sync_copy(rows[(n_sub - 1) % 2],
                        out_hbm.at[pl.ds(base + (n_sub - 1) * 128, 128)])

    return gk(idx_flat, table)


def _dense_body(q_ref, g_ref, wq1_ref, bq1_ref, wq2_ref, bq2_ref,
                wrel_ref, brel_ref, wqa_ref, bqa_ref, wka_ref, bka_ref,
                wva_ref, bva_ref, woa_ref, boa_ref, gamma_ref, beta_ref,
                wh1_ref, bh1_ref, wh2_ref, bh2_ref, wh3_ref, bh3_ref, o_ref):
    d = 128
    dh = d // H
    qx = q_ref[:, 0:1]
    qy = q_ref[:, 1:2]
    qz = q_ref[:, 2:3]

    def lin3(w_ref, b_ref):
        return (qx * w_ref[0:1, :] + qy * w_ref[1:2, :] + qz * w_ref[2:3, :]
                + b_ref[...])

    def mm(a, w_ref, b_ref):
        r = jnp.dot(a, w_ref[...], preferred_element_type=jnp.float32)
        return r + b_ref[...]

    qe = mm(jax.nn.gelu(lin3(wq1_ref, bq1_ref)), wq2_ref, bq2_ref)
    qrel = lin3(wrel_ref, brel_ref)

    bq = qe.shape[0]
    qrel_rep = jnp.broadcast_to(
        qrel[:, None, :], (bq, K, d)).reshape(bq * K, d)
    kv = g_ref[...] + qrel_rep
    kh = mm(kv, wka_ref, bka_ref)
    vh = mm(kv, wva_ref, bva_ref)
    qh = mm(qe, wqa_ref, bqa_ref)
    qh_rep = jnp.broadcast_to(qh[:, None, :], (bq, K, d)).reshape(bq * K, d)

    sfull = qh_rep * kh
    scale = 1.0 / (dh ** 0.5)
    scores = jnp.concatenate(
        [jnp.sum(sfull[:, h * dh:(h + 1) * dh], axis=1, keepdims=True)
         for h in range(H)], axis=1) * scale
    s3 = scores.reshape(bq, K, H)
    smax = jnp.max(s3, axis=1, keepdims=True)
    e = jnp.exp(s3 - smax)
    attn = e / jnp.sum(e, axis=1, keepdims=True)

    attn_w = jnp.concatenate(
        [jnp.broadcast_to(attn[:, :, h:h + 1], (bq, K, dh)) for h in range(H)],
        axis=2)
    vh3 = vh.reshape(bq, K, d)
    heads = jnp.sum(attn_w * vh3, axis=1)

    agg = mm(heads, woa_ref, boa_ref) + qe
    mu = jnp.mean(agg, axis=-1, keepdims=True)
    var = jnp.mean((agg - mu) * (agg - mu), axis=-1, keepdims=True)
    an = (agg - mu) / jnp.sqrt(var + 1e-5) * gamma_ref[...] + beta_ref[...]

    h1 = jax.nn.gelu(mm(an, wh1_ref, bh1_ref))
    h2 = jax.nn.gelu(mm(h1, wh2_ref, bh2_ref))
    o_ref[...] = mm(h2, wh3_ref, bh3_ref)


def _dense(q, g, weights):
    nq = q.shape[0]
    full = lambda shape: pl.BlockSpec(shape, lambda i: tuple(0 for _ in shape))
    wspecs = [full(w.shape) for w in weights]
    return pl.pallas_call(
        _dense_body,
        grid=(nq // BQ,),
        in_specs=[
            pl.BlockSpec((BQ, 3), lambda i: (i, 0)),
            pl.BlockSpec((BQ * K, 128), lambda i: (i, 0)),
        ] + wspecs,
        out_specs=pl.BlockSpec((BQ, 1), lambda i: (i, 0)),
        out_shape=jax.ShapeDtypeStruct((nq, 1), jnp.float32),
    )(q, g, *weights)


def kernel(query_points_coords, context_coords, context_features,
           Wq1, bq1, Wq2, bq2, Wrel, brel,
           Wqa, bqa, Wka, bka, Wva, bva, Woa, boa,
           gamma, beta, Wh1, bh1, Wh2, bh2, Wh3, bh3):
    q = query_points_coords.astype(jnp.float32)
    c = context_coords.astype(jnp.float32)
    feats = context_features.astype(jnp.float32)
    n = c.shape[0]

    ct = jnp.concatenate(
        [c.T, jnp.full((3, NPAD - n), 100.0, jnp.float32)], axis=1)
    ct = jnp.concatenate([ct, jnp.zeros((5, NPAD), jnp.float32)], axis=0)

    feats_pad = jnp.pad(feats, ((0, NROWPAD - n), (0, 0)))
    coords_pad = jnp.pad(c, ((0, NROWPAD - n), (0, 0)))

    t_table = _prep(feats_pad, coords_pad, Wrel)
    nn_idx = _knn(q, ct)
    g = _gather(nn_idx.reshape(-1), t_table)

    r2 = lambda b: b.reshape(1, -1)
    weights = [Wq1, r2(bq1), Wq2, r2(bq2), Wrel, r2(brel),
               Wqa, r2(bqa), Wka, r2(bka), Wva, r2(bva), Woa, r2(boa),
               r2(gamma), r2(beta), Wh1, r2(bh1), Wh2, r2(bh2), Wh3, r2(bh3)]
    return _dense(q, g, weights)

# --- scband reference (transcript-rebuilt; emitter-appended) ---
"""Pipeline reference for scband-attention-occupancy-network-4002909520789 (READ-ONLY COPY).

The authoritative reference and input builder live on the scoring server;
editing this copy changes nothing except your own understanding.
"""

import jax, jax.numpy as jnp
import numpy as np

K_NEIGHBORS = 16
N_HEADS = 4


def setup_inputs(seed: int = 0) -> dict:
    key = jax.random.key(seed)
    ks = jax.random.split(key, 16)
    B_q, N, d = 4096, 50000, 128
    w = lambda i, shape: (jax.random.normal(ks[i], shape) * 0.02).astype(jnp.float32)
    inp = {
        "query_points_coords": jax.random.uniform(ks[0], (B_q, 3), dtype=jnp.float32),
        "context_coords": jax.random.uniform(ks[1], (N, 3), dtype=jnp.float32),
        "context_features": jax.random.normal(ks[2], (N, d), dtype=jnp.float32),
        "Wq1": w(3, (3, d)), "bq1": jnp.zeros((d,), jnp.float32),
        "Wq2": w(4, (d, d)), "bq2": jnp.zeros((d,), jnp.float32),
        "Wrel": w(5, (3, d)), "brel": jnp.zeros((d,), jnp.float32),
        "Wqa": w(6, (d, d)), "bqa": jnp.zeros((d,), jnp.float32),
        "Wka": w(7, (d, d)), "bka": jnp.zeros((d,), jnp.float32),
        "Wva": w(8, (d, d)), "bva": jnp.zeros((d,), jnp.float32),
        "Woa": w(9, (d, d)), "boa": jnp.zeros((d,), jnp.float32),
        "gamma": jnp.ones((d,), jnp.float32), "beta": jnp.zeros((d,), jnp.float32),
        "Wh1": w(10, (d, d)), "bh1": jnp.zeros((d,), jnp.float32),
        "Wh2": w(11, (d, d // 2)), "bh2": jnp.zeros((d // 2,), jnp.float32),
        "Wh3": w(12, (d // 2, 1)), "bh3": jnp.zeros((1,), jnp.float32),
    }
    return inp


def reference(query_points_coords, context_coords, context_features,
              Wq1, bq1, Wq2, bq2, Wrel, brel,
              Wqa, bqa, Wka, bka, Wva, bva, Woa, boa,
              gamma, beta, Wh1, bh1, Wh2, bh2, Wh3, bh3):
    q = query_points_coords.astype(jnp.float32)
    c = context_coords.astype(jnp.float32)
    feats = context_features.astype(jnp.float32)
    B = q.shape[0]
    d = feats.shape[1]
    H = N_HEADS
    dh = d // H
    k_actual = min(K_NEIGHBORS, c.shape[0])

    # torch.cdist equivalent (euclidean distance), then topk smallest
    q2 = jnp.sum(q * q, axis=1, keepdims=True)
    c2 = jnp.sum(c * c, axis=1)[None, :]
    dist = jnp.sqrt(jnp.maximum(q2 + c2 - 2.0 * (q @ c.T), 0.0))
    _, nn_indices = jax.lax.top_k(-jax.lax.stop_gradient(dist), k_actual)

    # query encoder: Linear -> GELU -> Linear
    query_embed = jax.nn.gelu(q @ Wq1 + bq1) @ Wq2 + bq2

    # gather neighbor coords / features
    neighbor_coords = c[nn_indices]              # (B, K, 3)
    neighbor_features = feats[nn_indices]        # (B, K, d)
    rel_coords = q[:, None, :] - neighbor_coords # (B, K, 3)

    # POCO aggregation: relative-position-augmented multi-head attention
    kv = neighbor_features + (rel_coords @ Wrel + brel)
    qh = (query_embed @ Wqa + bqa).reshape(B, H, dh)
    kh = (kv @ Wka + bka).reshape(B, k_actual, H, dh)
    vh = (kv @ Wva + bva).reshape(B, k_actual, H, dh)
    scores = jnp.einsum('bhd,bkhd->bhk', qh, kh) / (dh ** 0.5)
    attn = jax.nn.softmax(scores, axis=-1)
    heads = jnp.einsum('bhk,bkhd->bhd', attn, vh).reshape(B, d)
    aggregated_feature = heads @ Woa + boa

    # residual + layer norm
    agg = aggregated_feature + query_embed
    mu = jnp.mean(agg, axis=-1, keepdims=True)
    var = jnp.var(agg, axis=-1, keepdims=True)
    agg_norm = (agg - mu) / jnp.sqrt(var + 1e-5) * gamma + beta

    # prediction head
    h = jax.nn.gelu(agg_norm @ Wh1 + bh1)
    h = jax.nn.gelu(h @ Wh2 + bh2)
    logits = h @ Wh3 + bh3
    return logits

if __name__ == "__main__":
    import jax
    _d = setup_inputs()
    print(jax.jit(kernel)(*tuple(_d.values())))

</pallas_src>

<mosaic_0001>
#map = affine_map<(d0, d1) -> (0)>
#map1 = affine_map<(d0, d1) -> (0, 0)>
module attributes {stable_mosaic.version = 14 : i64} {
  func.func @gk(%arg0: i32, %arg1: i32, %arg2: memref<65536xi32, #tpu.memory_space<hbm>>, %arg3: memref<50176x128xf32, #tpu.memory_space<hbm>>, %arg4: memref<65536x128xf32, #tpu.memory_space<hbm>>, %arg5: memref<2048xi32, #tpu.memory_space<vmem>>, %arg6: memref<128x128xf32, #tpu.memory_space<vmem>>, %arg7: memref<128x128xf32, #tpu.memory_space<vmem>>, %arg8: memref<!tpu.dma_semaphore, #tpu.memory_space<semaphore_mem>>, %arg9: memref<!tpu.dma_semaphore, #tpu.memory_space<semaphore_mem>>) attributes {dimension_semantics = [#tpu.dimension_semantics<core_parallel>, #tpu.dimension_semantics<subcore_parallel>], iteration_bounds = array<i64: 2, 16>, scalar_prefetch = 0 : i64, scratch_operands = 5 : i64, tpu.core_type = #tpu.core_type<sc_vector_subcore>, window_params = [{transform_indices = #map}, {transform_indices = #map1}, {transform_indices = #map1}]} {
    %mul3A = arith.constant 2 : i32
    %mul3A_0 = arith.muli %arg1, %mul3A : i32
    %add3A = arith.addi %mul3A_0, %arg0 : i32
    %mul3A_1 = arith.constant 2048 : i32
    %mul3A_2 = arith.muli %add3A, %mul3A_1 : i32
    "tpu.region"() ({
      %run_scoped3A = tpu.sem_alloc : memref<!tpu.dma_semaphore, #tpu.memory_space<semaphore_mem>>
      %dma_start3A_193 = tpu.memref_slice %arg2[%mul3A_2] : memref<65536xi32, #tpu.memory_space<hbm>> -> memref<2048xi32, #tpu.memory_space<hbm>>
      %dma_start3A_194 = tpu.memref_slice %arg2[%mul3A_2] : memref<65536xi32, #tpu.memory_space<hbm>> -> memref<2048xi32, #tpu.memory_space<hbm>>
      tpu.enqueue_dma source(%dma_start3A_194 : memref<2048xi32, #tpu.memory_space<hbm>>) target(%arg5 : memref<2048xi32, #tpu.memory_space<vmem>>) target_semaphore(%run_scoped3A : memref<!tpu.dma_semaphore, #tpu.memory_space<semaphore_mem>>)
      %dma_wait3A_195 = tpu.memref_slice %arg2[%mul3A_2] : memref<65536xi32, #tpu.memory_space<hbm>> -> memref<2048xi32, #tpu.memory_space<hbm>>
      %dma_wait3A_196 = tpu.memref_slice %arg2[%mul3A_2] : memref<65536xi32, #tpu.memory_space<hbm>> -> memref<2048xi32, #tpu.memory_space<hbm>>
      tpu.wait_dma2 semaphore(%run_scoped3A : memref<!tpu.dma_semaphore, #tpu.memory_space<semaphore_mem>>) src(%dma_wait3A_196 : memref<2048xi32, #tpu.memory_space<hbm>>) dst(%arg5 : memref<2048xi32, #tpu.memory_space<vmem>>)
      tpu.yield
    }) : () -> ()
    %dma_start3A = arith.constant 0 : i32
    %dma_start3A_3 = tpu.memref_slice %arg5[%dma_start3A] : memref<2048xi32, #tpu.memory_space<vmem>> -> memref<128xi32, #tpu.memory_space<vmem>>
    %dma_start3A_4 = arith.constant 0 : i32
    %dma_start3A_5 = arith.constant 0 : i32
    %dma_start3A_6 = tpu.memref_slice %arg3[%dma_start3A_4, %dma_start3A_5] : memref<50176x128xf32, #tpu.memory_space<hbm>> -> memref<50176x128xf32, #tpu.memory_space<hbm>>
    tpu.enqueue_indirect_dma source(%dma_start3A_6 : memref<50176x128xf32, #tpu.memory_space<hbm>>) target(%arg6 : memref<128x128xf32, #tpu.memory_space<vmem>>) offsets(%dma_start3A_3 : memref<128xi32, #tpu.memory_space<vmem>>) semaphore(%arg8 : memref<!tpu.dma_semaphore, #tpu.memory_space<semaphore_mem>>)
    %dma_start3A_7 = arith.constant 128 : i32
    %dma_start3A_8 = tpu.memref_slice %arg5[%dma_start3A_7] : memref<2048xi32, #tpu.memory_space<vmem>> -> memref<128xi32, #tpu.memory_space<vmem>>
    %dma_start3A_9 = arith.constant 0 : i32
    %dma_start3A_10 = arith.constant 0 : i32
    %dma_start3A_11 = tpu.memref_slice %arg3[%dma_start3A_9, %dma_start3A_10] : memref<50176x128xf32, #tpu.memory_space<hbm>> -> memref<50176x128xf32, #tpu.memory_space<hbm>>
    tpu.enqueue_indirect_dma source(%dma_start3A_11 : memref<50176x128xf32, #tpu.memory_space<hbm>>) target(%arg7 : memref<128x128xf32, #tpu.memory_space<vmem>>) offsets(%dma_start3A_8 : memref<128xi32, #tpu.memory_space<vmem>>) semaphore(%arg9 : memref<!tpu.dma_semaphore, #tpu.memory_space<semaphore_mem>>)
    %dma_wait3A = arith.constant 0 : i32
    %dma_wait3A_12 = tpu.memref_slice %arg5[%dma_wait3A] : memref<2048xi32, #tpu.memory_space<vmem>> -> memref<128xi32, #tpu.memory_space<vmem>>
    %dma_wait3A_13 = arith.constant 0 : i32
    %dma_wait3A_14 = arith.constant 0 : i32
    %dma_wait3A_15 = tpu.memref_slice %arg3[%dma_wait3A_13, %dma_wait3A_14] : memref<50176x128xf32, #tpu.memory_space<hbm>> -> memref<50176x128xf32, #tpu.memory_space<hbm>>
    tpu.wait_indirect_dma semaphore(%arg8 : memref<!tpu.dma_semaphore, #tpu.memory_space<semaphore_mem>>) src(%dma_wait3A_15 : memref<50176x128xf32, #tpu.memory_space<hbm>>) dst(%arg6 : memref<128x128xf32, #tpu.memory_space<vmem>>)
    %add3A_16 = arith.constant 0 : i32
    %add3A_17 = arith.addi %mul3A_2, %add3A_16 : i32
    "tpu.region"() ({
      %run_scoped3A = tpu.sem_alloc : memref<!tpu.dma_semaphore, #tpu.memory_space<semaphore_mem>>
      %dma_start3A_193 = arith.constant 0 : i32
      %dma_start3A_194 = tpu.memref_slice %arg4[%add3A_17, %dma_start3A_193] : memref<65536x128xf32, #tpu.memory_space<hbm>> -> memref<128x128xf32, #tpu.memory_space<hbm>>
      %dma_start3A_195 = arith.constant 0 : i32
      %dma_start3A_196 = tpu.memref_slice %arg4[%add3A_17, %dma_start3A_195] : memref<65536x128xf32, #tpu.memory_space<hbm>> -> memref<128x128xf32, #tpu.memory_space<hbm>>
      tpu.enqueue_dma source(%arg6 : memref<128x128xf32, #tpu.memory_space<vmem>>) target(%dma_start3A_196 : memref<128x128xf32, #tpu.memory_space<hbm>>) target_semaphore(%run_scoped3A : memref<!tpu.dma_semaphore, #tpu.memory_space<semaphore_mem>>)
      %dma_wait3A_197 = arith.constant 0 : i32
      %dma_wait3A_198 = tpu.memref_slice %arg4[%add3A_17, %dma_wait3A_197] : memref<65536x128xf32, #tpu.memory_space<hbm>> -> memref<128x128xf32, #tpu.memory_space<hbm>>
      %dma_wait3A_199 = arith.constant 0 : i32
      %dma_wait3A_200 = tpu.memref_slice %arg4[%add3A_17, %dma_wait3A_199] : memref<65536x128xf32, #tpu.memory_space<hbm>> -> memref<128x128xf32, #tpu.memory_space<hbm>>
      tpu.wait_dma2 semaphore(%run_scoped3A : memref<!tpu.dma_semaphore, #tpu.memory_space<semaphore_mem>>) src(%arg6 : memref<128x128xf32, #tpu.memory_space<vmem>>) dst(%dma_wait3A_200 : memref<128x128xf32, #tpu.memory_space<hbm>>)
      tpu.yield
    }) : () -> ()
    %dma_start3A_18 = arith.constant 256 : i32
    %dma_start3A_19 = tpu.memref_slice %arg5[%dma_start3A_18] : memref<2048xi32, #tpu.memory_space<vmem>> -> memref<128xi32, #tpu.memory_space<vmem>>
    %dma_start3A_20 = arith.constant 0 : i32
    %dma_start3A_21 = arith.constant 0 : i32
    %dma_start3A_22 = tpu.memref_slice %arg3[%dma_start3A_20, %dma_start3A_21] : memref<50176x128xf32, #tpu.memory_space<hbm>> -> memref<50176x128xf32, #tpu.memory_space<hbm>>
    tpu.enqueue_indirect_dma source(%dma_start3A_22 : memref<50176x128xf32, #tpu.memory_space<hbm>>) target(%arg6 : memref<128x128xf32, #tpu.memory_space<vmem>>) offsets(%dma_start3A_19 : memref<128xi32, #tpu.memory_space<vmem>>) semaphore(%arg8 : memref<!tpu.dma_semaphore, #tpu.memory_space<semaphore_mem>>)
    %dma_wait3A_23 = arith.constant 128 : i32
    %dma_wait3A_24 = tpu.memref_slice %arg5[%dma_wait3A_23] : memref<2048xi32, #tpu.memory_space<vmem>> -> memref<128xi32, #tpu.memory_space<vmem>>
    %dma_wait3A_25 = arith.constant 0 : i32
    %dma_wait3A_26 = arith.constant 0 : i32
    %dma_wait3A_27 = tpu.memref_slice %arg3[%dma_wait3A_25, %dma_wait3A_26] : memref<50176x128xf32, #tpu.memory_space<hbm>> -> memref<50176x128xf32, #tpu.memory_space<hbm>>
    tpu.wait_indirect_dma semaphore(%arg9 : memref<!tpu.dma_semaphore, #tpu.memory_space<semaphore_mem>>) src(%dma_wait3A_27 : memref<50176x128xf32, #tpu.memory_space<hbm>>) dst(%arg7 : memref<128x128xf32, #tpu.memory_space<vmem>>)
    %add3A_28 = arith.constant 128 : i32
    %add3A_29 = arith.addi %mul3A_2, %add3A_28 : i32
    "tpu.region"() ({
      %run_scoped3A = tpu.sem_alloc : memref<!tpu.dma_semaphore, #tpu.memory_space<semaphore_mem>>
      %dma_start3A_193 = arith.constant 0 : i32
      %dma_start3A_194 = tpu.memref_slice %arg4[%add3A_29, %dma_start3A_193] : memref<65536x128xf32, #tpu.memory_space<hbm>> -> memref<128x128xf32, #tpu.memory_space<hbm>>
      %dma_start3A_195 = arith.constant 0 : i32
      %dma_start3A_196 = tpu.memref_slice %arg4[%add3A_29, %dma_start3A_195] : memref<65536x128xf32, #tpu.memory_space<hbm>> -> memref<128x128xf32, #tpu.memory_space<hbm>>
      tpu.enqueue_dma source(%arg7 : memref<128x128xf32, #tpu.memory_space<vmem>>) target(%dma_start3A_196 : memref<128x128xf32, #tpu.memory_space<hbm>>) target_semaphore(%run_scoped3A : memref<!tpu.dma_semaphore, #tpu.memory_space<semaphore_mem>>)
      %dma_wait3A_197 = arith.constant 0 : i32
      %dma_wait3A_198 = tpu.memref_slice %arg4[%add3A_29, %dma_wait3A_197] : memref<65536x128xf32, #tpu.memory_space<hbm>> -> memref<128x128xf32, #tpu.memory_space<hbm>>
      %dma_wait3A_199 = arith.constant 0 : i32
      %dma_wait3A_200 = tpu.memref_slice %arg4[%add3A_29, %dma_wait3A_199] : memref<65536x128xf32, #tpu.memory_space<hbm>> -> memref<128x128xf32, #tpu.memory_space<hbm>>
      tpu.wait_dma2 semaphore(%run_scoped3A : memref<!tpu.dma_semaphore, #tpu.memory_space<semaphore_mem>>) src(%arg7 : memref<128x128xf32, #tpu.memory_space<vmem>>) dst(%dma_wait3A_200 : memref<128x128xf32, #tpu.memory_space<hbm>>)
      tpu.yield
    }) : () -> ()
    %dma_start3A_30 = arith.constant 384 : i32
    %dma_start3A_31 = tpu.memref_slice %arg5[%dma_start3A_30] : memref<2048xi32, #tpu.memory_space<vmem>> -> memref<128xi32, #tpu.memory_space<vmem>>
    %dma_start3A_32 = arith.constant 0 : i32
    %dma_start3A_33 = arith.constant 0 : i32
    %dma_start3A_34 = tpu.memref_slice %arg3[%dma_start3A_32, %dma_start3A_33] : memref<50176x128xf32, #tpu.memory_space<hbm>> -> memref<50176x128xf32, #tpu.memory_space<hbm>>
    tpu.enqueue_indirect_dma source(%dma_start3A_34 : memref<50176x128xf32, #tpu.memory_space<hbm>>) target(%arg7 : memref<128x128xf32, #tpu.memory_space<vmem>>) offsets(%dma_start3A_31 : memref<128xi32, #tpu.memory_space<vmem>>) semaphore(%arg9 : memref<!tpu.dma_semaphore, #tpu.memory_space<semaphore_mem>>)
    %dma_wait3A_35 = arith.constant 256 : i32
    %dma_wait3A_36 = tpu.memref_slice %arg5[%dma_wait3A_35] : memref<2048xi32, #tpu.memory_space<vmem>> -> memref<128xi32, #tpu.memory_space<vmem>>
    %dma_wait3A_37 = arith.constant 0 : i32
    %dma_wait3A_38 = arith.constant 0 : i32
    %dma_wait3A_39 = tpu.memref_slice %arg3[%dma_wait3A_37, %dma_wait3A_38] : memref<50176x128xf32, #tpu.memory_space<hbm>> -> memref<50176x128xf32, #tpu.memory_space<hbm>>
    tpu.wait_indirect_dma semaphore(%arg8 : memref<!tpu.dma_semaphore, #tpu.memory_space<semaphore_mem>>) src(%dma_wait3A_39 : memref<50176x128xf32, #tpu.memory_space<hbm>>) dst(%arg6 : memref<128x128xf32, #tpu.memory_space<vmem>>)
    %add3A_40 = arith.constant 256 : i32
    %add3A_41 = arith.addi %mul3A_2, %add3A_40 : i32
    "tpu.region"() ({
      %run_scoped3A = tpu.sem_alloc : memref<!tpu.dma_semaphore, #tpu.memory_space<semaphore_mem>>
      %dma_start3A_193 = arith.constant 0 : i32
      %dma_start3A_194 = tpu.memref_slice %arg4[%add3A_41, %dma_start3A_193] : memref<65536x128xf32, #tpu.memory_space<hbm>> -> memref<128x128xf32, #tpu.memory_space<hbm>>
      %dma_start3A_195 = arith.constant 0 : i32
      %dma_start3A_196 = tpu.memref_slice %arg4[%add3A_41, %dma_start3A_195] : memref<65536x128xf32, #tpu.memory_space<hbm>> -> memref<128x128xf32, #tpu.memory_space<hbm>>
      tpu.enqueue_dma source(%arg6 : memref<128x128xf32, #tpu.memory_space<vmem>>) target(%dma_start3A_196 : memref<128x128xf32, #tpu.memory_space<hbm>>) target_semaphore(%run_scoped3A : memref<!tpu.dma_semaphore, #tpu.memory_space<semaphore_mem>>)
      %dma_wait3A_197 = arith.constant 0 : i32
      %dma_wait3A_198 = tpu.memref_slice %arg4[%add3A_41, %dma_wait3A_197] : memref<65536x128xf32, #tpu.memory_space<hbm>> -> memref<128x128xf32, #tpu.memory_space<hbm>>
      %dma_wait3A_199 = arith.constant 0 : i32
      %dma_wait3A_200 = tpu.memref_slice %arg4[%add3A_41, %dma_wait3A_199] : memref<65536x128xf32, #tpu.memory_space<hbm>> -> memref<128x128xf32, #tpu.memory_space<hbm>>
      tpu.wait_dma2 semaphore(%run_scoped3A : memref<!tpu.dma_semaphore, #tpu.memory_space<semaphore_mem>>) src(%arg6 : memref<128x128xf32, #tpu.memory_space<vmem>>) dst(%dma_wait3A_200 : memref<128x128xf32, #tpu.memory_space<hbm>>)
      tpu.yield
    }) : () -> ()
    %dma_start3A_42 = arith.constant 512 : i32
    %dma_start3A_43 = tpu.memref_slice %arg5[%dma_start3A_42] : memref<2048xi32, #tpu.memory_space<vmem>> -> memref<128xi32, #tpu.memory_space<vmem>>
    %dma_start3A_44 = arith.constant 0 : i32
    %dma_start3A_45 = arith.constant 0 : i32
    %dma_start3A_46 = tpu.memref_slice %arg3[%dma_start3A_44, %dma_start3A_45] : memref<50176x128xf32, #tpu.memory_space<hbm>> -> memref<50176x128xf32, #tpu.memory_space<hbm>>
    tpu.enqueue_indirect_dma source(%dma_start3A_46 : memref<50176x128xf32, #tpu.memory_space<hbm>>) target(%arg6 : memref<128x128xf32, #tpu.memory_space<vmem>>) offsets(%dma_start3A_43 : memref<128xi32, #tpu.memory_space<vmem>>) semaphore(%arg8 : memref<!tpu.dma_semaphore, #tpu.memory_space<semaphore_mem>>)
    %dma_wait3A_47 = arith.constant 384 : i32
    %dma_wait3A_48 = tpu.memref_slice %arg5[%dma_wait3A_47] : memref<2048xi32, #tpu.memory_space<vmem>> -> memref<128xi32, #tpu.memory_space<vmem>>
    %dma_wait3A_49 = arith.constant 0 : i32
    %dma_wait3A_50 = arith.constant 0 : i32
    %dma_wait3A_51 = tpu.memref_slice %arg3[%dma_wait3A_49, %dma_wait3A_50] : memref<50176x128xf32, #tpu.memory_space<hbm>> -> memref<50176x128xf32, #tpu.memory_space<hbm>>
    tpu.wait_indirect_dma semaphore(%arg9 : memref<!tpu.dma_semaphore, #tpu.memory_space<semaphore_mem>>) src(%dma_wait3A_51 : memref<50176x128xf32, #tpu.memory_space<hbm>>) dst(%arg7 : memref<128x128xf32, #tpu.memory_space<vmem>>)
    %add3A_52 = arith.constant 384 : i32
    %add3A_53 = arith.addi %mul3A_2, %add3A_52 : i32
    "tpu.region"() ({
      %run_scoped3A = tpu.sem_alloc : memref<!tpu.dma_semaphore, #tpu.memory_space<semaphore_mem>>
      %dma_start3A_193 = arith.constant 0 : i32
      %dma_start3A_194 = tpu.memref_slice %arg4[%add3A_53, %dma_start3A_193] : memref<65536x128xf32, #tpu.memory_space<hbm>> -> memref<128x128xf32, #tpu.memory_space<hbm>>
      %dma_start3A_195 = arith.constant 0 : i32
      %dma_start3A_196 = tpu.memref_slice %arg4[%add3A_53, %dma_start3A_195] : memref<65536x128xf32, #tpu.memory_space<hbm>> -> memref<128x128xf32, #tpu.memory_space<hbm>>
      tpu.enqueue_dma source(%arg7 : memref<128x128xf32, #tpu.memory_space<vmem>>) target(%dma_start3A_196 : memref<128x128xf32, #tpu.memory_space<hbm>>) target_semaphore(%run_scoped3A : memref<!tpu.dma_semaphore, #tpu.memory_space<semaphore_mem>>)
      %dma_wait3A_197 = arith.constant 0 : i32
      %dma_wait3A_198 = tpu.memref_slice %arg4[%add3A_53, %dma_wait3A_197] : memref<65536x128xf32, #tpu.memory_space<hbm>> -> memref<128x128xf32, #tpu.memory_space<hbm>>
      %dma_wait3A_199 = arith.constant 0 : i32
      %dma_wait3A_200 = tpu.memref_slice %arg4[%add3A_53, %dma_wait3A_199] : memref<65536x128xf32, #tpu.memory_space<hbm>> -> memref<128x128xf32, #tpu.memory_space<hbm>>
      tpu.wait_dma2 semaphore(%run_scoped3A : memref<!tpu.dma_semaphore, #tpu.memory_space<semaphore_mem>>) src(%arg7 : memref<128x128xf32, #tpu.memory_space<vmem>>) dst(%dma_wait3A_200 : memref<128x128xf32, #tpu.memory_space<hbm>>)
      tpu.yield
    }) : () -> ()
    %dma_start3A_54 = arith.constant 640 : i32
    %dma_start3A_55 = tpu.memref_slice %arg5[%dma_start3A_54] : memref<2048xi32, #tpu.memory_space<vmem>> -> memref<128xi32, #tpu.memory_space<vmem>>
    %dma_start3A_56 = arith.constant 0 : i32
    %dma_start3A_57 = arith.constant 0 : i32
    %dma_start3A_58 = tpu.memref_slice %arg3[%dma_start3A_56, %dma_start3A_57] : memref<50176x128xf32, #tpu.memory_space<hbm>> -> memref<50176x128xf32, #tpu.memory_space<hbm>>
    tpu.enqueue_indirect_dma source(%dma_start3A_58 : memref<50176x128xf32, #tpu.memory_space<hbm>>) target(%arg7 : memref<128x128xf32, #tpu.memory_space<vmem>>) offsets(%dma_start3A_55 : memref<128xi32, #tpu.memory_space<vmem>>) semaphore(%arg9 : memref<!tpu.dma_semaphore, #tpu.memory_space<semaphore_mem>>)
    %dma_wait3A_59 = arith.constant 512 : i32
    %dma_wait3A_60 = tpu.memref_slice %arg5[%dma_wait3A_59] : memref<2048xi32, #tpu.memory_space<vmem>> -> memref<128xi32, #tpu.memory_space<vmem>>
    %dma_wait3A_61 = arith.constant 0 : i32
    %dma_wait3A_62 = arith.constant 0 : i32
    %dma_wait3A_63 = tpu.memref_slice %arg3[%dma_wait3A_61, %dma_wait3A_62] : memref<50176x128xf32, #tpu.memory_space<hbm>> -> memref<50176x128xf32, #tpu.memory_space<hbm>>
    tpu.wait_indirect_dma semaphore(%arg8 : memref<!tpu.dma_semaphore, #tpu.memory_space<semaphore_mem>>) src(%dma_wait3A_63 : memref<50176x128xf32, #tpu.memory_space<hbm>>) dst(%arg6 : memref<128x128xf32, #tpu.memory_space<vmem>>)
    %add3A_64 = arith.constant 512 : i32
    %add3A_65 = arith.addi %mul3A_2, %add3A_64 : i32
    "tpu.region"() ({
      %run_scoped3A = tpu.sem_alloc : memref<!tpu.dma_semaphore, #tpu.memory_space<semaphore_mem>>
      %dma_start3A_193 = arith.constant 0 : i32
      %dma_start3A_194 = tpu.memref_slice %arg4[%add3A_65, %dma_start3A_193] : memref<65536x128xf32, #tpu.memory_space<hbm>> -> memref<128x128xf32, #tpu.memory_space<hbm>>
      %dma_start3A_195 = arith.constant 0 : i32
      %dma_start3A_196 = tpu.memref_slice %arg4[%add3A_65, %dma_start3A_195] : memref<65536x128xf32, #tpu.memory_space<hbm>> -> memref<128x128xf32, #tpu.memory_space<hbm>>
      tpu.enqueue_dma source(%arg6 : memref<128x128xf32, #tpu.memory_space<vmem>>) target(%dma_start3A_196 : memref<128x128xf32, #tpu.memory_space<hbm>>) target_semaphore(%run_scoped3A : memref<!tpu.dma_semaphore, #tpu.memory_space<semaphore_mem>>)
      %dma_wait3A_197 = arith.constant 0 : i32
      %dma_wait3A_198 = tpu.memref_slice %arg4[%add3A_65, %dma_wait3A_197] : memref<65536x128xf32, #tpu.memory_space<hbm>> -> memref<128x128xf32, #tpu.memory_space<hbm>>
      %dma_wait3A_199 = arith.constant 0 : i32
      %dma_wait3A_200 = tpu.memref_slice %arg4[%add3A_65, %dma_wait3A_199] : memref<65536x128xf32, #tpu.memory_space<hbm>> -> memref<128x128xf32, #tpu.memory_space<hbm>>
      tpu.wait_dma2 semaphore(%run_scoped3A : memref<!tpu.dma_semaphore, #tpu.memory_space<semaphore_mem>>) src(%arg6 : memref<128x128xf32, #tpu.memory_space<vmem>>) dst(%dma_wait3A_200 : memref<128x128xf32, #tpu.memory_space<hbm>>)
      tpu.yield
    }) : () -> ()
    %dma_start3A_66 = arith.constant 768 : i32
    %dma_start3A_67 = tpu.memref_slice %arg5[%dma_start3A_66] : memref<2048xi32, #tpu.memory_space<vmem>> -> memref<128xi32, #tpu.memory_space<vmem>>
    %dma_start3A_68 = arith.constant 0 : i32
    %dma_start3A_69 = arith.constant 0 : i32
    %dma_start3A_70 = tpu.memref_slice %arg3[%dma_start3A_68, %dma_start3A_69] : memref<50176x128xf32, #tpu.memory_space<hbm>> -> memref<50176x128xf32, #tpu.memory_space<hbm>>
    tpu.enqueue_indirect_dma source(%dma_start3A_70 : memref<50176x128xf32, #tpu.memory_space<hbm>>) target(%arg6 : memref<128x128xf32, #tpu.memory_space<vmem>>) offsets(%dma_start3A_67 : memref<128xi32, #tpu.memory_space<vmem>>) semaphore(%arg8 : memref<!tpu.dma_semaphore, #tpu.memory_space<semaphore_mem>>)
    %dma_wait3A_71 = arith.constant 640 : i32
    %dma_wait3A_72 = tpu.memref_slice %arg5[%dma_wait3A_71] : memref<2048xi32, #tpu.memory_space<vmem>> -> memref<128xi32, #tpu.memory_space<vmem>>
    %dma_wait3A_73 = arith.constant 0 : i32
    %dma_wait3A_74 = arith.constant 0 : i32
    %dma_wait3A_75 = tpu.memref_slice %arg3[%dma_wait3A_73, %dma_wait3A_74] : memref<50176x128xf32, #tpu.memory_space<hbm>> -> memref<50176x128xf32, #tpu.memory_space<hbm>>
    tpu.wait_indirect_dma semaphore(%arg9 : memref<!tpu.dma_semaphore, #tpu.memory_space<semaphore_mem>>) src(%dma_wait3A_75 : memref<50176x128xf32, #tpu.memory_space<hbm>>) dst(%arg7 : memref<128x128xf32, #tpu.memory_space<vmem>>)
    %add3A_76 = arith.constant 640 : i32
    %add3A_77 = arith.addi %mul3A_2, %add3A_76 : i32
    "tpu.region"() ({
      %run_scoped3A = tpu.sem_alloc : memref<!tpu.dma_semaphore, #tpu.memory_space<semaphore_mem>>
      %dma_start3A_193 = arith.constant 0 : i32
      %dma_start3A_194 = tpu.memref_slice %arg4[%add3A_77, %dma_start3A_193] : memref<65536x128xf32, #tpu.memory_space<hbm>> -> memref<128x128xf32, #tpu.memory_space<hbm>>
      %dma_start3A_195 = arith.constant 0 : i32
      %dma_start3A_196 = tpu.memref_slice %arg4[%add3A_77, %dma_start3A_195] : memref<65536x128xf32, #tpu.memory_space<hbm>> -> memref<128x128xf32, #tpu.memory_space<hbm>>
      tpu.enqueue_dma source(%arg7 : memref<128x128xf32, #tpu.memory_space<vmem>>) target(%dma_start3A_196 : memref<128x128xf32, #tpu.memory_space<hbm>>) target_semaphore(%run_scoped3A : memref<!tpu.dma_semaphore, #tpu.memory_space<semaphore_mem>>)
      %dma_wait3A_197 = arith.constant 0 : i32
      %dma_wait3A_198 = tpu.memref_slice %arg4[%add3A_77, %dma_wait3A_197] : memref<65536x128xf32, #tpu.memory_space<hbm>> -> memref<128x128xf32, #tpu.memory_space<hbm>>
      %dma_wait3A_199 = arith.constant 0 : i32
      %dma_wait3A_200 = tpu.memref_slice %arg4[%add3A_77, %dma_wait3A_199] : memref<65536x128xf32, #tpu.memory_space<hbm>> -> memref<128x128xf32, #tpu.memory_space<hbm>>
      tpu.wait_dma2 semaphore(%run_scoped3A : memref<!tpu.dma_semaphore, #tpu.memory_space<semaphore_mem>>) src(%arg7 : memref<128x128xf32, #tpu.memory_space<vmem>>) dst(%dma_wait3A_200 : memref<128x128xf32, #tpu.memory_space<hbm>>)
      tpu.yield
    }) : () -> ()
    %dma_start3A_78 = arith.constant 896 : i32
    %dma_start3A_79 = tpu.memref_slice %arg5[%dma_start3A_78] : memref<2048xi32, #tpu.memory_space<vmem>> -> memref<128xi32, #tpu.memory_space<vmem>>
    %dma_start3A_80 = arith.constant 0 : i32
    %dma_start3A_81 = arith.constant 0 : i32
    %dma_start3A_82 = tpu.memref_slice %arg3[%dma_start3A_80, %dma_start3A_81] : memref<50176x128xf32, #tpu.memory_space<hbm>> -> memref<50176x128xf32, #tpu.memory_space<hbm>>
    tpu.enqueue_indirect_dma source(%dma_start3A_82 : memref<50176x128xf32, #tpu.memory_space<hbm>>) target(%arg7 : memref<128x128xf32, #tpu.memory_space<vmem>>) offsets(%dma_start3A_79 : memref<128xi32, #tpu.memory_space<vmem>>) semaphore(%arg9 : memref<!tpu.dma_semaphore, #tpu.memory_space<semaphore_mem>>)
    %dma_wait3A_83 = arith.constant 768 : i32
    %dma_wait3A_84 = tpu.memref_slice %arg5[%dma_wait3A_83] : memref<2048xi32, #tpu.memory_space<vmem>> -> memref<128xi32, #tpu.memory_space<vmem>>
    %dma_wait3A_85 = arith.constant 0 : i32
    %dma_wait3A_86 = arith.constant 0 : i32
    %dma_wait3A_87 = tpu.memref_slice %arg3[%dma_wait3A_85, %dma_wait3A_86] : memref<50176x128xf32, #tpu.memory_space<hbm>> -> memref<50176x128xf32, #tpu.memory_space<hbm>>
    tpu.wait_indirect_dma semaphore(%arg8 : memref<!tpu.dma_semaphore, #tpu.memory_space<semaphore_mem>>) src(%dma_wait3A_87 : memref<50176x128xf32, #tpu.memory_space<hbm>>) dst(%arg6 : memref<128x128xf32, #tpu.memory_space<vmem>>)
    %add3A_88 = arith.constant 768 : i32
    %add3A_89 = arith.addi %mul3A_2, %add3A_88 : i32
    "tpu.region"() ({
      %run_scoped3A = tpu.sem_alloc : memref<!tpu.dma_semaphore, #tpu.memory_space<semaphore_mem>>
      %dma_start3A_193 = arith.constant 0 : i32
      %dma_start3A_194 = tpu.memref_slice %arg4[%add3A_89, %dma_start3A_193] : memref<65536x128xf32, #tpu.memory_space<hbm>> -> memref<128x128xf32, #tpu.memory_space<hbm>>
      %dma_start3A_195 = arith.constant 0 : i32
      %dma_start3A_196 = tpu.memref_slice %arg4[%add3A_89, %dma_start3A_195] : memref<65536x128xf32, #tpu.memory_space<hbm>> -> memref<128x128xf32, #tpu.memory_space<hbm>>
      tpu.enqueue_dma source(%arg6 : memref<128x128xf32, #tpu.memory_space<vmem>>) target(%dma_start3A_196 : memref<128x128xf32, #tpu.memory_space<hbm>>) target_semaphore(%run_scoped3A : memref<!tpu.dma_semaphore, #tpu.memory_space<semaphore_mem>>)
      %dma_wait3A_197 = arith.constant 0 : i32
      %dma_wait3A_198 = tpu.memref_slice %arg4[%add3A_89, %dma_wait3A_197] : memref<65536x128xf32, #tpu.memory_space<hbm>> -> memref<128x128xf32, #tpu.memory_space<hbm>>
      %dma_wait3A_199 = arith.constant 0 : i32
      %dma_wait3A_200 = tpu.memref_slice %arg4[%add3A_89, %dma_wait3A_199] : memref<65536x128xf32, #tpu.memory_space<hbm>> -> memref<128x128xf32, #tpu.memory_space<hbm>>
      tpu.wait_dma2 semaphore(%run_scoped3A : memref<!tpu.dma_semaphore, #tpu.memory_space<semaphore_mem>>) src(%arg6 : memref<128x128xf32, #tpu.memory_space<vmem>>) dst(%dma_wait3A_200 : memref<128x128xf32, #tpu.memory_space<hbm>>)
      tpu.yield
    }) : () -> ()
    %dma_start3A_90 = arith.constant 1024 : i32
    %dma_start3A_91 = tpu.memref_slice %arg5[%dma_start3A_90] : memref<2048xi32, #tpu.memory_space<vmem>> -> memref<128xi32, #tpu.memory_space<vmem>>
    %dma_start3A_92 = arith.constant 0 : i32
    %dma_start3A_93 = arith.constant 0 : i32
    %dma_start3A_94 = tpu.memref_slice %arg3[%dma_start3A_92, %dma_start3A_93] : memref<50176x128xf32, #tpu.memory_space<hbm>> -> memref<50176x128xf32, #tpu.memory_space<hbm>>
    tpu.enqueue_indirect_dma source(%dma_start3A_94 : memref<50176x128xf32, #tpu.memory_space<hbm>>) target(%arg6 : memref<128x128xf32, #tpu.memory_space<vmem>>) offsets(%dma_start3A_91 : memref<128xi32, #tpu.memory_space<vmem>>) semaphore(%arg8 : memref<!tpu.dma_semaphore, #tpu.memory_space<semaphore_mem>>)
    %dma_wait3A_95 = arith.constant 896 : i32
    %dma_wait3A_96 = tpu.memref_slice %arg5[%dma_wait3A_95] : memref<2048xi32, #tpu.memory_space<vmem>> -> memref<128xi32, #tpu.memory_space<vmem>>
    %dma_wait3A_97 = arith.constant 0 : i32
    %dma_wait3A_98 = arith.constant 0 : i32
    %dma_wait3A_99 = tpu.memref_slice %arg3[%dma_wait3A_97, %dma_wait3A_98] : memref<50176x128xf32, #tpu.memory_space<hbm>> -> memref<50176x128xf32, #tpu.memory_space<hbm>>
    tpu.wait_indirect_dma semaphore(%arg9 : memref<!tpu.dma_semaphore, #tpu.memory_space<semaphore_mem>>) src(%dma_wait3A_99 : memref<50176x128xf32, #tpu.memory_space<hbm>>) dst(%arg7 : memref<128x128xf32, #tpu.memory_space<vmem>>)
    %add3A_100 = arith.constant 896 : i32
    %add3A_101 = arith.addi %mul3A_2, %add3A_100 : i32
    "tpu.region"() ({
      %run_scoped3A = tpu.sem_alloc : memref<!tpu.dma_semaphore, #tpu.memory_space<semaphore_mem>>
      %dma_start3A_193 = arith.constant 0 : i32
      %dma_start3A_194 = tpu.memref_slice %arg4[%add3A_101, %dma_start3A_193] : memref<65536x128xf32, #tpu.memory_space<hbm>> -> memref<128x128xf32, #tpu.memory_space<hbm>>
      %dma_start3A_195 = arith.constant 0 : i32
      %dma_start3A_196 = tpu.memref_slice %arg4[%add3A_101, %dma_start3A_195] : memref<65536x128xf32, #tpu.memory_space<hbm>> -> memref<128x128xf32, #tpu.memory_space<hbm>>
      tpu.enqueue_dma source(%arg7 : memref<128x128xf32, #tpu.memory_space<vmem>>) target(%dma_start3A_196 : memref<128x128xf32, #tpu.memory_space<hbm>>) target_semaphore(%run_scoped3A : memref<!tpu.dma_semaphore, #tpu.memory_space<semaphore_mem>>)
      %dma_wait3A_197 = arith.constant 0 : i32
      %dma_wait3A_198 = tpu.memref_slice %arg4[%add3A_101, %dma_wait3A_197] : memref<65536x128xf32, #tpu.memory_space<hbm>> -> memref<128x128xf32, #tpu.memory_space<hbm>>
      %dma_wait3A_199 = arith.constant 0 : i32
      %dma_wait3A_200 = tpu.memref_slice %arg4[%add3A_101, %dma_wait3A_199] : memref<65536x128xf32, #tpu.memory_space<hbm>> -> memref<128x128xf32, #tpu.memory_space<hbm>>
      tpu.wait_dma2 semaphore(%run_scoped3A : memref<!tpu.dma_semaphore, #tpu.memory_space<semaphore_mem>>) src(%arg7 : memref<128x128xf32, #tpu.memory_space<vmem>>) dst(%dma_wait3A_200 : memref<128x128xf32, #tpu.memory_space<hbm>>)
      tpu.yield
    }) : () -> ()
    %dma_start3A_102 = arith.constant 1152 : i32
    %dma_start3A_103 = tpu.memref_slice %arg5[%dma_start3A_102] : memref<2048xi32, #tpu.memory_space<vmem>> -> memref<128xi32, #tpu.memory_space<vmem>>
    %dma_start3A_104 = arith.constant 0 : i32
    %dma_start3A_105 = arith.constant 0 : i32
    %dma_start3A_106 = tpu.memref_slice %arg3[%dma_start3A_104, %dma_start3A_105] : memref<50176x128xf32, #tpu.memory_space<hbm>> -> memref<50176x128xf32, #tpu.memory_space<hbm>>
    tpu.enqueue_indirect_dma source(%dma_start3A_106 : memref<50176x128xf32, #tpu.memory_space<hbm>>) target(%arg7 : memref<128x128xf32, #tpu.memory_space<vmem>>) offsets(%dma_start3A_103 : memref<128xi32, #tpu.memory_space<vmem>>) semaphore(%arg9 : memref<!tpu.dma_semaphore, #tpu.memory_space<semaphore_mem>>)
    %dma_wait3A_107 = arith.constant 1024 : i32
    %dma_wait3A_108 = tpu.memref_slice %arg5[%dma_wait3A_107] : memref<2048xi32, #tpu.memory_space<vmem>> -> memref<128xi32, #tpu.memory_space<vmem>>
    %dma_wait3A_109 = arith.constant 0 : i32
    %dma_wait3A_110 = arith.constant 0 : i32
    %dma_wait3A_111 = tpu.memref_slice %arg3[%dma_wait3A_109, %dma_wait3A_110] : memref<50176x128xf32, #tpu.memory_space<hbm>> -> memref<50176x128xf32, #tpu.memory_space<hbm>>
    tpu.wait_indirect_dma semaphore(%arg8 : memref<!tpu.dma_semaphore, #tpu.memory_space<semaphore_mem>>) src(%dma_wait3A_111 : memref<50176x128xf32, #tpu.memory_space<hbm>>) dst(%arg6 : memref<128x128xf32, #tpu.memory_space<vmem>>)
    %add3A_112 = arith.constant 1024 : i32
    %add3A_113 = arith.addi %mul3A_2, %add3A_112 : i32
    "tpu.region"() ({
      %run_scoped3A = tpu.sem_alloc : memref<!tpu.dma_semaphore, #tpu.memory_space<semaphore_mem>>
      %dma_start3A_193 = arith.constant 0 : i32
      %dma_start3A_194 = tpu.memref_slice %arg4[%add3A_113, %dma_start3A_193] : memref<65536x128xf32, #tpu.memory_space<hbm>> -> memref<128x128xf32, #tpu.memory_space<hbm>>
      %dma_start3A_195 = arith.constant 0 : i32
      %dma_start3A_196 = tpu.memref_slice %arg4[%add3A_113, %dma_start3A_195] : memref<65536x128xf32, #tpu.memory_space<hbm>> -> memref<128x128xf32, #tpu.memory_space<hbm>>
      tpu.enqueue_dma source(%arg6 : memref<128x128xf32, #tpu.memory_space<vmem>>) target(%dma_start3A_196 : memref<128x128xf32, #tpu.memory_space<hbm>>) target_semaphore(%run_scoped3A : memref<!tpu.dma_semaphore, #tpu.memory_space<semaphore_mem>>)
      %dma_wait3A_197 = arith.constant 0 : i32
      %dma_wait3A_198 = tpu.memref_slice %arg4[%add3A_113, %dma_wait3A_197] : memref<65536x128xf32, #tpu.memory_space<hbm>> -> memref<128x128xf32, #tpu.memory_space<hbm>>
      %dma_wait3A_199 = arith.constant 0 : i32
      %dma_wait3A_200 = tpu.memref_slice %arg4[%add3A_113, %dma_wait3A_199] : memref<65536x128xf32, #tpu.memory_space<hbm>> -> memref<128x128xf32, #tpu.memory_space<hbm>>
      tpu.wait_dma2 semaphore(%run_scoped3A : memref<!tpu.dma_semaphore, #tpu.memory_space<semaphore_mem>>) src(%arg6 : memref<128x128xf32, #tpu.memory_space<vmem>>) dst(%dma_wait3A_200 : memref<128x128xf32, #tpu.memory_space<hbm>>)
      tpu.yield
    }) : () -> ()
    %dma_start3A_114 = arith.constant 1280 : i32
    %dma_start3A_115 = tpu.memref_slice %arg5[%dma_start3A_114] : memref<2048xi32, #tpu.memory_space<vmem>> -> memref<128xi32, #tpu.memory_space<vmem>>
    %dma_start3A_116 = arith.constant 0 : i32
    %dma_start3A_117 = arith.constant 0 : i32
    %dma_start3A_118 = tpu.memref_slice %arg3[%dma_start3A_116, %dma_start3A_117] : memref<50176x128xf32, #tpu.memory_space<hbm>> -> memref<50176x128xf32, #tpu.memory_space<hbm>>
    tpu.enqueue_indirect_dma source(%dma_start3A_118 : memref<50176x128xf32, #tpu.memory_space<hbm>>) target(%arg6 : memref<128x128xf32, #tpu.memory_space<vmem>>) offsets(%dma_start3A_115 : memref<128xi32, #tpu.memory_space<vmem>>) semaphore(%arg8 : memref<!tpu.dma_semaphore, #tpu.memory_space<semaphore_mem>>)
    %dma_wait3A_119 = arith.constant 1152 : i32
    %dma_wait3A_120 = tpu.memref_slice %arg5[%dma_wait3A_119] : memref<2048xi32, #tpu.memory_space<vmem>> -> memref<128xi32, #tpu.memory_space<vmem>>
    %dma_wait3A_121 = arith.constant 0 : i32
    %dma_wait3A_122 = arith.constant 0 : i32
    %dma_wait3A_123 = tpu.memref_slice %arg3[%dma_wait3A_121, %dma_wait3A_122] : memref<50176x128xf32, #tpu.memory_space<hbm>> -> memref<50176x128xf32, #tpu.memory_space<hbm>>
    tpu.wait_indirect_dma semaphore(%arg9 : memref<!tpu.dma_semaphore, #tpu.memory_space<semaphore_mem>>) src(%dma_wait3A_123 : memref<50176x128xf32, #tpu.memory_space<hbm>>) dst(%arg7 : memref<128x128xf32, #tpu.memory_space<vmem>>)
    %add3A_124 = arith.constant 1152 : i32
    %add3A_125 = arith.addi %mul3A_2, %add3A_124 : i32
    "tpu.region"() ({
      %run_scoped3A = tpu.sem_alloc : memref<!tpu.dma_semaphore, #tpu.memory_space<semaphore_mem>>
      %dma_start3A_193 = arith.constant 0 : i32
      %dma_start3A_194 = tpu.memref_slice %arg4[%add3A_125, %dma_start3A_193] : memref<65536x128xf32, #tpu.memory_space<hbm>> -> memref<128x128xf32, #tpu.memory_space<hbm>>
      %dma_start3A_195 = arith.constant 0 : i32
      %dma_start3A_196 = tpu.memref_slice %arg4[%add3A_125, %dma_start3A_195] : memref<65536x128xf32, #tpu.memory_space<hbm>> -> memref<128x128xf32, #tpu.memory_space<hbm>>
      tpu.enqueue_dma source(%arg7 : memref<128x128xf32, #tpu.memory_space<vmem>>) target(%dma_start3A_196 : memref<128x128xf32, #tpu.memory_space<hbm>>) target_semaphore(%run_scoped3A : memref<!tpu.dma_semaphore, #tpu.memory_space<semaphore_mem>>)
      %dma_wait3A_197 = arith.constant 0 : i32
      %dma_wait3A_198 = tpu.memref_slice %arg4[%add3A_125, %dma_wait3A_197] : memref<65536x128xf32, #tpu.memory_space<hbm>> -> memref<128x128xf32, #tpu.memory_space<hbm>>
      %dma_wait3A_199 = arith.constant 0 : i32
      %dma_wait3A_200 = tpu.memref_slice %arg4[%add3A_125, %dma_wait3A_199] : memref<65536x128xf32, #tpu.memory_space<hbm>> -> memref<128x128xf32, #tpu.memory_space<hbm>>
      tpu.wait_dma2 semaphore(%run_scoped3A : memref<!tpu.dma_semaphore, #tpu.memory_space<semaphore_mem>>) src(%arg7 : memref<128x128xf32, #tpu.memory_space<vmem>>) dst(%dma_wait3A_200 : memref<128x128xf32, #tpu.memory_space<hbm>>)
      tpu.yield
    }) : () -> ()
    %dma_start3A_126 = arith.constant 1408 : i32
    %dma_start3A_127 = tpu.memref_slice %arg5[%dma_start3A_126] : memref<2048xi32, #tpu.memory_space<vmem>> -> memref<128xi32, #tpu.memory_space<vmem>>
    %dma_start3A_128 = arith.constant 0 : i32
    %dma_start3A_129 = arith.constant 0 : i32
    %dma_start3A_130 = tpu.memref_slice %arg3[%dma_start3A_128, %dma_start3A_129] : memref<50176x128xf32, #tpu.memory_space<hbm>> -> memref<50176x128xf32, #tpu.memory_space<hbm>>
    tpu.enqueue_indirect_dma source(%dma_start3A_130 : memref<50176x128xf32, #tpu.memory_space<hbm>>) target(%arg7 : memref<128x128xf32, #tpu.memory_space<vmem>>) offsets(%dma_start3A_127 : memref<128xi32, #tpu.memory_space<vmem>>) semaphore(%arg9 : memref<!tpu.dma_semaphore, #tpu.memory_space<semaphore_mem>>)
    %dma_wait3A_131 = arith.constant 1280 : i32
    %dma_wait3A_132 = tpu.memref_slice %arg5[%dma_wait3A_131] : memref<2048xi32, #tpu.memory_space<vmem>> -> memref<128xi32, #tpu.memory_space<vmem>>
    %dma_wait3A_133 = arith.constant 0 : i32
    %dma_wait3A_134 = arith.constant 0 : i32
    %dma_wait3A_135 = tpu.memref_slice %arg3[%dma_wait3A_133, %dma_wait3A_134] : memref<50176x128xf32, #tpu.memory_space<hbm>> -> memref<50176x128xf32, #tpu.memory_space<hbm>>
    tpu.wait_indirect_dma semaphore(%arg8 : memref<!tpu.dma_semaphore, #tpu.memory_space<semaphore_mem>>) src(%dma_wait3A_135 : memref<50176x128xf32, #tpu.memory_space<hbm>>) dst(%arg6 : memref<128x128xf32, #tpu.memory_space<vmem>>)
    %add3A_136 = arith.constant 1280 : i32
    %add3A_137 = arith.addi %mul3A_2, %add3A_136 : i32
    "tpu.region"() ({
      %run_scoped3A = tpu.sem_alloc : memref<!tpu.dma_semaphore, #tpu.memory_space<semaphore_mem>>
      %dma_start3A_193 = arith.constant 0 : i32
      %dma_start3A_194 = tpu.memref_slice %arg4[%add3A_137, %dma_start3A_193] : memref<65536x128xf32, #tpu.memory_space<hbm>> -> memref<128x128xf32, #tpu.memory_space<hbm>>
      %dma_start3A_195 = arith.constant 0 : i32
      %dma_start3A_196 = tpu.memref_slice %arg4[%add3A_137, %dma_start3A_195] : memref<65536x128xf32, #tpu.memory_space<hbm>> -> memref<128x128xf32, #tpu.memory_space<hbm>>
      tpu.enqueue_dma source(%arg6 : memref<128x128xf32, #tpu.memory_space<vmem>>) target(%dma_start3A_196 : memref<128x128xf32, #tpu.memory_space<hbm>>) target_semaphore(%run_scoped3A : memref<!tpu.dma_semaphore, #tpu.memory_space<semaphore_mem>>)
      %dma_wait3A_197 = arith.constant 0 : i32
      %dma_wait3A_198 = tpu.memref_slice %arg4[%add3A_137, %dma_wait3A_197] : memref<65536x128xf32, #tpu.memory_space<hbm>> -> memref<128x128xf32, #tpu.memory_space<hbm>>
      %dma_wait3A_199 = arith.constant 0 : i32
      %dma_wait3A_200 = tpu.memref_slice %arg4[%add3A_137, %dma_wait3A_199] : memref<65536x128xf32, #tpu.memory_space<hbm>> -> memref<128x128xf32, #tpu.memory_space<hbm>>
      tpu.wait_dma2 semaphore(%run_scoped3A : memref<!tpu.dma_semaphore, #tpu.memory_space<semaphore_mem>>) src(%arg6 : memref<128x128xf32, #tpu.memory_space<vmem>>) dst(%dma_wait3A_200 : memref<128x128xf32, #tpu.memory_space<hbm>>)
      tpu.yield
    }) : () -> ()
    %dma_start3A_138 = arith.constant 1536 : i32
    %dma_start3A_139 = tpu.memref_slice %arg5[%dma_start3A_138] : memref<2048xi32, #tpu.memory_space<vmem>> -> memref<128xi32, #tpu.memory_space<vmem>>
    %dma_start3A_140 = arith.constant 0 : i32
    %dma_start3A_141 = arith.constant 0 : i32
    %dma_start3A_142 = tpu.memref_slice %arg3[%dma_start3A_140, %dma_start3A_141] : memref<50176x128xf32, #tpu.memory_space<hbm>> -> memref<50176x128xf32, #tpu.memory_space<hbm>>
    tpu.enqueue_indirect_dma source(%dma_start3A_142 : memref<50176x128xf32, #tpu.memory_space<hbm>>) target(%arg6 : memref<128x128xf32, #tpu.memory_space<vmem>>) offsets(%dma_start3A_139 : memref<128xi32, #tpu.memory_space<vmem>>) semaphore(%arg8 : memref<!tpu.dma_semaphore, #tpu.memory_space<semaphore_mem>>)
    %dma_wait3A_143 = arith.constant 1408 : i32
    %dma_wait3A_144 = tpu.memref_slice %arg5[%dma_wait3A_143] : memref<2048xi32, #tpu.memory_space<vmem>> -> memref<128xi32, #tpu.memory_space<vmem>>
    %dma_wait3A_145 = arith.constant 0 : i32
    %dma_wait3A_146 = arith.constant 0 : i32
    %dma_wait3A_147 = tpu.memref_slice %arg3[%dma_wait3A_145, %dma_wait3A_146] : memref<50176x128xf32, #tpu.memory_space<hbm>> -> memref<50176x128xf32, #tpu.memory_space<hbm>>
    tpu.wait_indirect_dma semaphore(%arg9 : memref<!tpu.dma_semaphore, #tpu.memory_space<semaphore_mem>>) src(%dma_wait3A_147 : memref<50176x128xf32, #tpu.memory_space<hbm>>) dst(%arg7 : memref<128x128xf32, #tpu.memory_space<vmem>>)
    %add3A_148 = arith.constant 1408 : i32
    %add3A_149 = arith.addi %mul3A_2, %add3A_148 : i32
    "tpu.region"() ({
      %run_scoped3A = tpu.sem_alloc : memref<!tpu.dma_semaphore, #tpu.memory_space<semaphore_mem>>
      %dma_start3A_193 = arith.constant 0 : i32
      %dma_start3A_194 = tpu.memref_slice %arg4[%add3A_149, %dma_start3A_193] : memref<65536x128xf32, #tpu.memory_space<hbm>> -> memref<128x128xf32, #tpu.memory_space<hbm>>
      %dma_start3A_195 = arith.constant 0 : i32
      %dma_start3A_196 = tpu.memref_slice %arg4[%add3A_149, %dma_start3A_195] : memref<65536x128xf32, #tpu.memory_space<hbm>> -> memref<128x128xf32, #tpu.memory_space<hbm>>
      tpu.enqueue_dma source(%arg7 : memref<128x128xf32, #tpu.memory_space<vmem>>) target(%dma_start3A_196 : memref<128x128xf32, #tpu.memory_space<hbm>>) target_semaphore(%run_scoped3A : memref<!tpu.dma_semaphore, #tpu.memory_space<semaphore_mem>>)
      %dma_wait3A_197 = arith.constant 0 : i32
      %dma_wait3A_198 = tpu.memref_slice %arg4[%add3A_149, %dma_wait3A_197] : memref<65536x128xf32, #tpu.memory_space<hbm>> -> memref<128x128xf32, #tpu.memory_space<hbm>>
      %dma_wait3A_199 = arith.constant 0 : i32
      %dma_wait3A_200 = tpu.memref_slice %arg4[%add3A_149, %dma_wait3A_199] : memref<65536x128xf32, #tpu.memory_space<hbm>> -> memref<128x128xf32, #tpu.memory_space<hbm>>
      tpu.wait_dma2 semaphore(%run_scoped3A : memref<!tpu.dma_semaphore, #tpu.memory_space<semaphore_mem>>) src(%arg7 : memref<128x128xf32, #tpu.memory_space<vmem>>) dst(%dma_wait3A_200 : memref<128x128xf32, #tpu.memory_space<hbm>>)
      tpu.yield
    }) : () -> ()
    %dma_start3A_150 = arith.constant 1664 : i32
    %dma_start3A_151 = tpu.memref_slice %arg5[%dma_start3A_150] : memref<2048xi32, #tpu.memory_space<vmem>> -> memref<128xi32, #tpu.memory_space<vmem>>
    %dma_start3A_152 = arith.constant 0 : i32
    %dma_start3A_153 = arith.constant 0 : i32
    %dma_start3A_154 = tpu.memref_slice %arg3[%dma_start3A_152, %dma_start3A_153] : memref<50176x128xf32, #tpu.memory_space<hbm>> -> memref<50176x128xf32, #tpu.memory_space<hbm>>
    tpu.enqueue_indirect_dma source(%dma_start3A_154 : memref<50176x128xf32, #tpu.memory_space<hbm>>) target(%arg7 : memref<128x128xf32, #tpu.memory_space<vmem>>) offsets(%dma_start3A_151 : memref<128xi32, #tpu.memory_space<vmem>>) semaphore(%arg9 : memref<!tpu.dma_semaphore, #tpu.memory_space<semaphore_mem>>)
    %dma_wait3A_155 = arith.constant 1536 : i32
    %dma_wait3A_156 = tpu.memref_slice %arg5[%dma_wait3A_155] : memref<2048xi32, #tpu.memory_space<vmem>> -> memref<128xi32, #tpu.memory_space<vmem>>
    %dma_wait3A_157 = arith.constant 0 : i32
    %dma_wait3A_158 = arith.constant 0 : i32
    %dma_wait3A_159 = tpu.memref_slice %arg3[%dma_wait3A_157, %dma_wait3A_158] : memref<50176x128xf32, #tpu.memory_space<hbm>> -> memref<50176x128xf32, #tpu.memory_space<hbm>>
    tpu.wait_indirect_dma semaphore(%arg8 : memref<!tpu.dma_semaphore, #tpu.memory_space<semaphore_mem>>) src(%dma_wait3A_159 : memref<50176x128xf32, #tpu.memory_space<hbm>>) dst(%arg6 : memref<128x128xf32, #tpu.memory_space<vmem>>)
    %add3A_160 = arith.constant 1536 : i32
    %add3A_161 = arith.addi %mul3A_2, %add3A_160 : i32
    "tpu.region"() ({
      %run_scoped3A = tpu.sem_alloc : memref<!tpu.dma_semaphore, #tpu.memory_space<semaphore_mem>>
      %dma_start3A_193 = arith.constant 0 : i32
      %dma_start3A_194 = tpu.memref_slice %arg4[%add3A_161, %dma_start3A_193] : memref<65536x128xf32, #tpu.memory_space<hbm>> -> memref<128x128xf32, #tpu.memory_space<hbm>>
      %dma_start3A_195 = arith.constant 0 : i32
      %dma_start3A_196 = tpu.memref_slice %arg4[%add3A_161, %dma_start3A_195] : memref<65536x128xf32, #tpu.memory_space<hbm>> -> memref<128x128xf32, #tpu.memory_space<hbm>>
      tpu.enqueue_dma source(%arg6 : memref<128x128xf32, #tpu.memory_space<vmem>>) target(%dma_start3A_196 : memref<128x128xf32, #tpu.memory_space<hbm>>) target_semaphore(%run_scoped3A : memref<!tpu.dma_semaphore, #tpu.memory_space<semaphore_mem>>)
      %dma_wait3A_197 = arith.constant 0 : i32
      %dma_wait3A_198 = tpu.memref_slice %arg4[%add3A_161, %dma_wait3A_197] : memref<65536x128xf32, #tpu.memory_space<hbm>> -> memref<128x128xf32, #tpu.memory_space<hbm>>
      %dma_wait3A_199 = arith.constant 0 : i32
      %dma_wait3A_200 = tpu.memref_slice %arg4[%add3A_161, %dma_wait3A_199] : memref<65536x128xf32, #tpu.memory_space<hbm>> -> memref<128x128xf32, #tpu.memory_space<hbm>>
      tpu.wait_dma2 semaphore(%run_scoped3A : memref<!tpu.dma_semaphore, #tpu.memory_space<semaphore_mem>>) src(%arg6 : memref<128x128xf32, #tpu.memory_space<vmem>>) dst(%dma_wait3A_200 : memref<128x128xf32, #tpu.memory_space<hbm>>)
      tpu.yield
    }) : () -> ()
    %dma_start3A_162 = arith.constant 1792 : i32
    %dma_start3A_163 = tpu.memref_slice %arg5[%dma_start3A_162] : memref<2048xi32, #tpu.memory_space<vmem>> -> memref<128xi32, #tpu.memory_space<vmem>>
    %dma_start3A_164 = arith.constant 0 : i32
    %dma_start3A_165 = arith.constant 0 : i32
    %dma_start3A_166 = tpu.memref_slice %arg3[%dma_start3A_164, %dma_start3A_165] : memref<50176x128xf32, #tpu.memory_space<hbm>> -> memref<50176x128xf32, #tpu.memory_space<hbm>>
    tpu.enqueue_indirect_dma source(%dma_start3A_166 : memref<50176x128xf32, #tpu.memory_space<hbm>>) target(%arg6 : memref<128x128xf32, #tpu.memory_space<vmem>>) offsets(%dma_start3A_163 : memref<128xi32, #tpu.memory_space<vmem>>) semaphore(%arg8 : memref<!tpu.dma_semaphore, #tpu.memory_space<semaphore_mem>>)
    %dma_wait3A_167 = arith.constant 1664 : i32
    %dma_wait3A_168 = tpu.memref_slice %arg5[%dma_wait3A_167] : memref<2048xi32, #tpu.memory_space<vmem>> -> memref<128xi32, #tpu.memory_space<vmem>>
    %dma_wait3A_169 = arith.constant 0 : i32
    %dma_wait3A_170 = arith.constant 0 : i32
    %dma_wait3A_171 = tpu.memref_slice %arg3[%dma_wait3A_169, %dma_wait3A_170] : memref<50176x128xf32, #tpu.memory_space<hbm>> -> memref<50176x128xf32, #tpu.memory_space<hbm>>
    tpu.wait_indirect_dma semaphore(%arg9 : memref<!tpu.dma_semaphore, #tpu.memory_space<semaphore_mem>>) src(%dma_wait3A_171 : memref<50176x128xf32, #tpu.memory_space<hbm>>) dst(%arg7 : memref<128x128xf32, #tpu.memory_space<vmem>>)
    %add3A_172 = arith.constant 1664 : i32
    %add3A_173 = arith.addi %mul3A_2, %add3A_172 : i32
    "tpu.region"() ({
      %run_scoped3A = tpu.sem_alloc : memref<!tpu.dma_semaphore, #tpu.memory_space<semaphore_mem>>
      %dma_start3A_193 = arith.constant 0 : i32
      %dma_start3A_194 = tpu.memref_slice %arg4[%add3A_173, %dma_start3A_193] : memref<65536x128xf32, #tpu.memory_space<hbm>> -> memref<128x128xf32, #tpu.memory_space<hbm>>
      %dma_start3A_195 = arith.constant 0 : i32
      %dma_start3A_196 = tpu.memref_slice %arg4[%add3A_173, %dma_start3A_195] : memref<65536x128xf32, #tpu.memory_space<hbm>> -> memref<128x128xf32, #tpu.memory_space<hbm>>
      tpu.enqueue_dma source(%arg7 : memref<128x128xf32, #tpu.memory_space<vmem>>) target(%dma_start3A_196 : memref<128x128xf32, #tpu.memory_space<hbm>>) target_semaphore(%run_scoped3A : memref<!tpu.dma_semaphore, #tpu.memory_space<semaphore_mem>>)
      %dma_wait3A_197 = arith.constant 0 : i32
      %dma_wait3A_198 = tpu.memref_slice %arg4[%add3A_173, %dma_wait3A_197] : memref<65536x128xf32, #tpu.memory_space<hbm>> -> memref<128x128xf32, #tpu.memory_space<hbm>>
      %dma_wait3A_199 = arith.constant 0 : i32
      %dma_wait3A_200 = tpu.memref_slice %arg4[%add3A_173, %dma_wait3A_199] : memref<65536x128xf32, #tpu.memory_space<hbm>> -> memref<128x128xf32, #tpu.memory_space<hbm>>
      tpu.wait_dma2 semaphore(%run_scoped3A : memref<!tpu.dma_semaphore, #tpu.memory_space<semaphore_mem>>) src(%arg7 : memref<128x128xf32, #tpu.memory_space<vmem>>) dst(%dma_wait3A_200 : memref<128x128xf32, #tpu.memory_space<hbm>>)
      tpu.yield
    }) : () -> ()
    %dma_start3A_174 = arith.constant 1920 : i32
    %dma_start3A_175 = tpu.memref_slice %arg5[%dma_start3A_174] : memref<2048xi32, #tpu.memory_space<vmem>> -> memref<128xi32, #tpu.memory_space<vmem>>
    %dma_start3A_176 = arith.constant 0 : i32
    %dma_start3A_177 = arith.constant 0 : i32
    %dma_start3A_178 = tpu.memref_slice %arg3[%dma_start3A_176, %dma_start3A_177] : memref<50176x128xf32, #tpu.memory_space<hbm>> -> memref<50176x128xf32, #tpu.memory_space<hbm>>
    tpu.enqueue_indirect_dma source(%dma_start3A_178 : memref<50176x128xf32, #tpu.memory_space<hbm>>) target(%arg7 : memref<128x128xf32, #tpu.memory_space<vmem>>) offsets(%dma_start3A_175 : memref<128xi32, #tpu.memory_space<vmem>>) semaphore(%arg9 : memref<!tpu.dma_semaphore, #tpu.memory_space<semaphore_mem>>)
    %dma_wait3A_179 = arith.constant 1792 : i32
    %dma_wait3A_180 = tpu.memref_slice %arg5[%dma_wait3A_179] : memref<2048xi32, #tpu.memory_space<vmem>> -> memref<128xi32, #tpu.memory_space<vmem>>
    %dma_wait3A_181 = arith.constant 0 : i32
    %dma_wait3A_182 = arith.constant 0 : i32
    %dma_wait3A_183 = tpu.memref_slice %arg3[%dma_wait3A_181, %dma_wait3A_182] : memref<50176x128xf32, #tpu.memory_space<hbm>> -> memref<50176x128xf32, #tpu.memory_space<hbm>>
    tpu.wait_indirect_dma semaphore(%arg8 : memref<!tpu.dma_semaphore, #tpu.memory_space<semaphore_mem>>) src(%dma_wait3A_183 : memref<50176x128xf32, #tpu.memory_space<hbm>>) dst(%arg6 : memref<128x128xf32, #tpu.memory_space<vmem>>)
    %add3A_184 = arith.constant 1792 : i32
    %add3A_185 = arith.addi %mul3A_2, %add3A_184 : i32
    "tpu.region"() ({
      %run_scoped3A = tpu.sem_alloc : memref<!tpu.dma_semaphore, #tpu.memory_space<semaphore_mem>>
      %dma_start3A_193 = arith.constant 0 : i32
      %dma_start3A_194 = tpu.memref_slice %arg4[%add3A_185, %dma_start3A_193] : memref<65536x128xf32, #tpu.memory_space<hbm>> -> memref<128x128xf32, #tpu.memory_space<hbm>>
      %dma_start3A_195 = arith.constant 0 : i32
      %dma_start3A_196 = tpu.memref_slice %arg4[%add3A_185, %dma_start3A_195] : memref<65536x128xf32, #tpu.memory_space<hbm>> -> memref<128x128xf32, #tpu.memory_space<hbm>>
      tpu.enqueue_dma source(%arg6 : memref<128x128xf32, #tpu.memory_space<vmem>>) target(%dma_start3A_196 : memref<128x128xf32, #tpu.memory_space<hbm>>) target_semaphore(%run_scoped3A : memref<!tpu.dma_semaphore, #tpu.memory_space<semaphore_mem>>)
      %dma_wait3A_197 = arith.constant 0 : i32
      %dma_wait3A_198 = tpu.memref_slice %arg4[%add3A_185, %dma_wait3A_197] : memref<65536x128xf32, #tpu.memory_space<hbm>> -> memref<128x128xf32, #tpu.memory_space<hbm>>
      %dma_wait3A_199 = arith.constant 0 : i32
      %dma_wait3A_200 = tpu.memref_slice %arg4[%add3A_185, %dma_wait3A_199] : memref<65536x128xf32, #tpu.memory_space<hbm>> -> memref<128x128xf32, #tpu.memory_space<hbm>>
      tpu.wait_dma2 semaphore(%run_scoped3A : memref<!tpu.dma_semaphore, #tpu.memory_space<semaphore_mem>>) src(%arg6 : memref<128x128xf32, #tpu.memory_space<vmem>>) dst(%dma_wait3A_200 : memref<128x128xf32, #tpu.memory_space<hbm>>)
      tpu.yield
    }) : () -> ()
    %dma_wait3A_186 = arith.constant 1920 : i32
    %dma_wait3A_187 = tpu.memref_slice %arg5[%dma_wait3A_186] : memref<2048xi32, #tpu.memory_space<vmem>> -> memref<128xi32, #tpu.memory_space<vmem>>
    %dma_wait3A_188 = arith.constant 0 : i32
    %dma_wait3A_189 = arith.constant 0 : i32
    %dma_wait3A_190 = tpu.memref_slice %arg3[%dma_wait3A_188, %dma_wait3A_189] : memref<50176x128xf32, #tpu.memory_space<hbm>> -> memref<50176x128xf32, #tpu.memory_space<hbm>>
    tpu.wait_indirect_dma semaphore(%arg9 : memref<!tpu.dma_semaphore, #tpu.memory_space<semaphore_mem>>) src(%dma_wait3A_190 : memref<50176x128xf32, #tpu.memory_space<hbm>>) dst(%arg7 : memref<128x128xf32, #tpu.memory_space<vmem>>)
    %add3A_191 = arith.constant 1920 : i32
    %add3A_192 = arith.addi %mul3A_2, %add3A_191 : i32
    "tpu.region"() ({
      %run_scoped3A = tpu.sem_alloc : memref<!tpu.dma_semaphore, #tpu.memory_space<semaphore_mem>>
      %dma_start3A_193 = arith.constant 0 : i32
      %dma_start3A_194 = tpu.memref_slice %arg4[%add3A_192, %dma_start3A_193] : memref<65536x128xf32, #tpu.memory_space<hbm>> -> memref<128x128xf32, #tpu.memory_space<hbm>>
      %dma_start3A_195 = arith.constant 0 : i32
      %dma_start3A_196 = tpu.memref_slice %arg4[%add3A_192, %dma_start3A_195] : memref<65536x128xf32, #tpu.memory_space<hbm>> -> memref<128x128xf32, #tpu.memory_space<hbm>>
      tpu.enqueue_dma source(%arg7 : memref<128x128xf32, #tpu.memory_space<vmem>>) target(%dma_start3A_196 : memref<128x128xf32, #tpu.memory_space<hbm>>) target_semaphore(%run_scoped3A : memref<!tpu.dma_semaphore, #tpu.memory_space<semaphore_mem>>)
      %dma_wait3A_197 = arith.constant 0 : i32
      %dma_wait3A_198 = tpu.memref_slice %arg4[%add3A_192, %dma_wait3A_197] : memref<65536x128xf32, #tpu.memory_space<hbm>> -> memref<128x128xf32, #tpu.memory_space<hbm>>
      %dma_wait3A_199 = arith.constant 0 : i32
      %dma_wait3A_200 = tpu.memref_slice %arg4[%add3A_192, %dma_wait3A_199] : memref<65536x128xf32, #tpu.memory_space<hbm>> -> memref<128x128xf32, #tpu.memory_space<hbm>>
      tpu.wait_dma2 semaphore(%run_scoped3A : memref<!tpu.dma_semaphore, #tpu.memory_space<semaphore_mem>>) src(%arg7 : memref<128x128xf32, #tpu.memory_space<vmem>>) dst(%dma_wait3A_200 : memref<128x128xf32, #tpu.memory_space<hbm>>)
      tpu.yield
    }) : () -> ()
    return
  }
}

module attributes {stable_mosaic.version = 14 : i64} {
  func.func @_knn_body(%arg0: i32, %arg1: i32, %arg2: memref<256x3xf32, #tpu.memory_space<vmem>>, %arg3: memref<8x2048xf32, #tpu.memory_space<vmem>>, %arg4: memref<256x16xi32, #tpu.memory_space<vmem>>, %arg5: memref<256x16xf32, #tpu.memory_space<vmem>>, %arg6: memref<256x16xi32, #tpu.memory_space<vmem>>) attributes {dimension_semantics = [#tpu.dimension_semantics<arbitrary>, #tpu.dimension_semantics<arbitrary>], iteration_bounds = array<i64: 16, 25>, scalar_prefetch = 0 : i64, scratch_operands = 2 : i64, tpu.core_type = #tpu.core_type<tc>, window_params = [{transform_indices = @transform_0, window_bounds = array<i64: 256, 3>}, {transform_indices = @transform_1, window_bounds = array<i64: 8, 2048>}, {transform_indices = @transform_2, window_bounds = array<i64: 256, 16>}]} {
    %eq3A = arith.constant 0 : i32
    %eq3A_0 = arith.cmpi eq, %arg1, %eq3A : i32
    %convert_element_type3A = arith.extui %eq3A_0 : i1 to i32
    %cond3A = arith.constant 0 : i32
    %cond3A_1 = arith.cmpi ne, %convert_element_type3A, %cond3A : i32
    scf.if %cond3A_1 {
      %broadcast_in_dim3A_565 = arith.constant 0x7F800000 : f32
      %broadcast_in_dim3A_566 = vector.broadcast %broadcast_in_dim3A_565 : f32 to vector<256x16xf32>
      %swap3A_567 = arith.constant 0 : index
      %swap3A_568 = arith.constant 0 : index
      %swap3A_569 = vector.load %arg5[%swap3A_567, %swap3A_568] : memref<256x16xf32, #tpu.memory_space<vmem>>, vector<256x16xf32>
      tpu.vector_store %arg5[%swap3A_567, %swap3A_568], %broadcast_in_dim3A_566 {strides = array<i32>} : memref<256x16xf32, #tpu.memory_space<vmem>>, vector<256x16xf32>,
      %broadcast_in_dim3A_570 = arith.constant 2147483647 : i32
      %broadcast_in_dim3A_571 = vector.broadcast %broadcast_in_dim3A_570 : i32 to vector<256x16xi32>
      %swap3A_572 = arith.constant 0 : index
      %swap3A_573 = arith.constant 0 : index
      %swap3A_574 = vector.load %arg6[%swap3A_572, %swap3A_573] : memref<256x16xi32, #tpu.memory_space<vmem>>, vector<256x16xi32>
      tpu.vector_store %arg6[%swap3A_572, %swap3A_573], %broadcast_in_dim3A_571 {strides = array<i32>} : memref<256x16xi32, #tpu.memory_space<vmem>>, vector<256x16xi32>,
    } else {
    }
    %get3A = arith.constant 0 : index
    %get3A_2 = arith.constant 0 : index
    %get3A_3 = vector.load %arg3[%get3A, %get3A_2] : memref<8x2048xf32, #tpu.memory_space<vmem>>, vector<1x2048xf32>
    %get3A_4 = arith.constant 1 : index
    %get3A_5 = arith.constant 0 : index
    %get3A_6 = vector.load %arg3[%get3A_4, %get3A_5] : memref<8x2048xf32, #tpu.memory_space<vmem>>, vector<1x2048xf32>
    %get3A_7 = arith.constant 2 : index
    %get3A_8 = arith.constant 0 : index
    %get3A_9 = vector.load %arg3[%get3A_7, %get3A_8] : memref<8x2048xf32, #tpu.memory_space<vmem>>, vector<1x2048xf32>
    %get3A_10 = arith.constant 0 : index
    %get3A_11 = arith.constant 0 : index
    %get3A_12 = vector.load %arg2[%get3A_10, %get3A_11] : memref<256x3xf32, #tpu.memory_space<vmem>>, vector<256x1xf32>
    %get3A_13 = arith.constant 0 : index
    %get3A_14 = arith.constant 1 : index
    %get3A_15 = vector.load %arg2[%get3A_13, %get3A_14] : memref<256x3xf32, #tpu.memory_space<vmem>>, vector<256x1xf32>
    %get3A_16 = arith.constant 0 : index
    %get3A_17 = arith.constant 2 : index
    %get3A_18 = vector.load %arg2[%get3A_16, %get3A_17] : memref<256x3xf32, #tpu.memory_space<vmem>>, vector<256x1xf32>
    %mul3A = arith.mulf %get3A_3, %get3A_3 : vector<1x2048xf32>
    %mul3A_19 = arith.mulf %get3A_6, %get3A_6 : vector<1x2048xf32>
    %add3A = arith.addf %mul3A, %mul3A_19 : vector<1x2048xf32>
    %mul3A_20 = arith.mulf %get3A_9, %get3A_9 : vector<1x2048xf32>
    %add3A_21 = arith.addf %add3A, %mul3A_20 : vector<1x2048xf32>
    %mul3A_22 = arith.mulf %get3A_12, %get3A_12 : vector<256x1xf32>
    %mul3A_23 = arith.mulf %get3A_15, %get3A_15 : vector<256x1xf32>
    %add3A_24 = arith.addf %mul3A_22, %mul3A_23 : vector<256x1xf32>
    %mul3A_25 = arith.mulf %get3A_18, %get3A_18 : vector<256x1xf32>
    %add3A_26 = arith.addf %add3A_24, %mul3A_25 : vector<256x1xf32>
    %get3A_27 = arith.constant 0 : index
    %get3A_28 = arith.constant 0 : index
    %get3A_29 = vector.load %arg2[%get3A_27, %get3A_28] : memref<256x3xf32, #tpu.memory_space<vmem>>, vector<256x3xf32>
    %get3A_30 = arith.constant 0 : index
    %get3A_31 = arith.constant 0 : index
    %get3A_32 = vector.load %arg3[%get3A_30, %get3A_31] : memref<8x2048xf32, #tpu.memory_space<vmem>>, vector<3x2048xf32>
    %dot_general3A = arith.constant dense<0.000000e+00> : vector<256x2048xf32>
    %dot_general3A_33 = tpu.matmul %get3A_29, %get3A_32, %dot_general3A {dimension_numbers = #tpu.dot_dimension_numbers<[1], [0], [0], [1], [0, 0, 1, 1], [], []>, transpose_lhs_hint = false} : vector<256x3xf32>, vector<3x2048xf32>, vector<256x2048xf32> -> vector<256x2048xf32>
    %add3A_34 = vector.broadcast %add3A_26 : vector<256x1xf32> to vector<256x2048xf32>
    %add3A_35 = vector.broadcast %add3A_21 : vector<1x2048xf32> to vector<256x2048xf32>
    %add3A_36 = arith.addf %add3A_34, %add3A_35 : vector<256x2048xf32>
    %mul3A_37 = arith.constant 2.000000e+00 : f32
    %mul3A_38 = vector.broadcast %mul3A_37 : f32 to vector<256x2048xf32>
    %mul3A_39 = arith.mulf %mul3A_38, %dot_general3A_33 : vector<256x2048xf32>
    %sub3A = arith.subf %add3A_36, %mul3A_39 : vector<256x2048xf32>
    %max3A = arith.constant 0.000000e+00 : f32
    %max3A_40 = vector.broadcast %max3A : f32 to vector<256x2048xf32>
    %max3A_41 = arith.maximumf %sub3A, %max3A_40 : vector<256x2048xf32>
    %sqrt3A = math.sqrt %max3A_41 : vector<256x2048xf32>
    %iota3A = tpu.iota {dimensions = array<i32: 1>} : vector<256x2048xi32>
    %mul3A_42 = arith.constant 2048 : i32
    %mul3A_43 = arith.muli %arg1, %mul3A_42 : i32
    %add3A_44 = vector.broadcast %mul3A_43 : i32 to vector<256x2048xi32>
    %add3A_45 = arith.addi %iota3A, %add3A_44 : vector<256x2048xi32>
    %reduce_min3A = arith.constant dense<0x7F800000> : vector<256xf32>
    %reduce_min3A_46 = vector.multi_reduction <minimumf>, %sqrt3A, %reduce_min3A [1] : vector<256x2048xf32> to vector<256xf32>
    %broadcast_in_dim3A = vector.shape_cast %reduce_min3A_46 : vector<256xf32> to vector<256x1xf32>
    %eq3A_47 = vector.broadcast %broadcast_in_dim3A : vector<256x1xf32> to vector<256x2048xf32>
    %eq3A_48 = arith.cmpf oeq, %sqrt3A, %eq3A_47 : vector<256x2048xf32>
    %jit3A = arith.constant 2147483647 : i32
    %broadcast_in_dim3A_49 = vector.broadcast %jit3A : i32 to vector<256x2048xi32>
    %select_n3A = arith.select %eq3A_48, %add3A_45, %broadcast_in_dim3A_49 : vector<256x2048xi1>, vector<256x2048xi32>
    %reduce_min3A_50 = arith.constant dense<2147483647> : vector<256xi32>
    %reduce_min3A_51 = vector.multi_reduction <minsi>, %select_n3A, %reduce_min3A_50 [1] : vector<256x2048xi32> to vector<256xi32>
    %broadcast_in_dim3A_52 = vector.shape_cast %reduce_min3A_51 : vector<256xi32> to vector<256x1xi32>
    %eq3A_53 = vector.broadcast %broadcast_in_dim3A_52 : vector<256x1xi32> to vector<256x2048xi32>
    %eq3A_54 = arith.cmpi eq, %add3A_45, %eq3A_53 : vector<256x2048xi32>
    %jit3A_55 = arith.constant 0x7F800000 : f32
    %broadcast_in_dim3A_56 = vector.broadcast %jit3A_55 : f32 to vector<256x2048xf32>
    %select_n3A_57 = arith.select %eq3A_54, %broadcast_in_dim3A_56, %sqrt3A : vector<256x2048xi1>, vector<256x2048xf32>
    %reduce_min3A_58 = arith.constant dense<0x7F800000> : vector<256xf32>
    %reduce_min3A_59 = vector.multi_reduction <minimumf>, %select_n3A_57, %reduce_min3A_58 [1] : vector<256x2048xf32> to vector<256xf32>
    %broadcast_in_dim3A_60 = vector.shape_cast %reduce_min3A_59 : vector<256xf32> to vector<256x1xf32>
    %eq3A_61 = vector.broadcast %broadcast_in_dim3A_60 : vector<256x1xf32> to vector<256x2048xf32>
    %eq3A_62 = arith.cmpf oeq, %select_n3A_57, %eq3A_61 : vector<256x2048xf32>
    %jit3A_63 = arith.constant 2147483647 : i32
    %broadcast_in_dim3A_64 = vector.broadcast %jit3A_63 : i32 to vector<256x2048xi32>
    %select_n3A_65 = arith.select %eq3A_62, %add3A_45, %broadcast_in_dim3A_64 : vector<256x2048xi1>, vector<256x2048xi32>
    %reduce_min3A_66 = arith.constant dense<2147483647> : vector<256xi32>
    %reduce_min3A_67 = vector.multi_reduction <minsi>, %select_n3A_65, %reduce_min3A_66 [1] : vector<256x2048xi32> to vector<256xi32>
    %broadcast_in_dim3A_68 = vector.shape_cast %reduce_min3A_67 : vector<256xi32> to vector<256x1xi32>
    %eq3A_69 = vector.broadcast %broadcast_in_dim3A_68 : vector<256x1xi32> to vector<256x2048xi32>
    %eq3A_70 = arith.cmpi eq, %add3A_45, %eq3A_69 : vector<256x2048xi32>
    %jit3A_71 = arith.constant 0x7F800000 : f32
    %broadcast_in_dim3A_72 = vector.broadcast %jit3A_71 : f32 to vector<256x2048xf32>
    %select_n3A_73 = arith.select %eq3A_70, %broadcast_in_dim3A_72, %select_n3A_57 : vector<256x2048xi1>, vector<256x2048xf32>
    %reduce_min3A_74 = arith.constant dense<0x7F800000> : vector<256xf32>
    %reduce_min3A_75 = vector.multi_reduction <minimumf>, %select_n3A_73, %reduce_min3A_74 [1] : vector<256x2048xf32> to vector<256xf32>
    %broadcast_in_dim3A_76 = vector.shape_cast %reduce_min3A_75 : vector<256xf32> to vector<256x1xf32>
    %eq3A_77 = vector.broadcast %broadcast_in_dim3A_76 : vector<256x1xf32> to vector<256x2048xf32>
    %eq3A_78 = arith.cmpf oeq, %select_n3A_73, %eq3A_77 : vector<256x2048xf32>
    %jit3A_79 = arith.constant 2147483647 : i32
    %broadcast_in_dim3A_80 = vector.broadcast %jit3A_79 : i32 to vector<256x2048xi32>
    %select_n3A_81 = arith.select %eq3A_78, %add3A_45, %broadcast_in_dim3A_80 : vector<256x2048xi1>, vector<256x2048xi32>
    %reduce_min3A_82 = arith.constant dense<2147483647> : vector<256xi32>
    %reduce_min3A_83 = vector.multi_reduction <minsi>, %select_n3A_81, %reduce_min3A_82 [1] : vector<256x2048xi32> to vector<256xi32>
    %broadcast_in_dim3A_84 = vector.shape_cast %reduce_min3A_83 : vector<256xi32> to vector<256x1xi32>
    %eq3A_85 = vector.broadcast %broadcast_in_dim3A_84 : vector<256x1xi32> to vector<256x2048xi32>
    %eq3A_86 = arith.cmpi eq, %add3A_45, %eq3A_85 : vector<256x2048xi32>
    %jit3A_87 = arith.constant 0x7F800000 : f32
    %broadcast_in_dim3A_88 = vector.broadcast %jit3A_87 : f32 to vector<256x2048xf32>
    %select_n3A_89 = arith.select %eq3A_86, %broadcast_in_dim3A_88, %select_n3A_73 : vector<256x2048xi1>, vector<256x2048xf32>
    %reduce_min3A_90 = arith.constant dense<0x7F800000> : vector<256xf32>
    %reduce_min3A_91 = vector.multi_reduction <minimumf>, %select_n3A_89, %reduce_min3A_90 [1] : vector<256x2048xf32> to vector<256xf32>
    %broadcast_in_dim3A_92 = vector.shape_cast %reduce_min3A_91 : vector<256xf32> to vector<256x1xf32>
    %eq3A_93 = vector.broadcast %broadcast_in_dim3A_92 : vector<256x1xf32> to vector<256x2048xf32>
    %eq3A_94 = arith.cmpf oeq, %select_n3A_89, %eq3A_93 : vector<256x2048xf32>
    %jit3A_95 = arith.constant 2147483647 : i32
    %broadcast_in_dim3A_96 = vector.broadcast %jit3A_95 : i32 to vector<256x2048xi32>
    %select_n3A_97 = arith.select %eq3A_94, %add3A_45, %broadcast_in_dim3A_96 : vector<256x2048xi1>, vector<256x2048xi32>
    %reduce_min3A_98 = arith.constant dense<2147483647> : vector<256xi32>
    %reduce_min3A_99 = vector.multi_reduction <minsi>, %select_n3A_97, %reduce_min3A_98 [1] : vector<256x2048xi32> to vector<256xi32>
    %broadcast_in_dim3A_100 = vector.shape_cast %reduce_min3A_99 : vector<256xi32> to vector<256x1xi32>
    %eq3A_101 = vector.broadcast %broadcast_in_dim3A_100 : vector<256x1xi32> to vector<256x2048xi32>
    %eq3A_102 = arith.cmpi eq, %add3A_45, %eq3A_101 : vector<256x2048xi32>
    %jit3A_103 = arith.constant 0x7F800000 : f32
    %broadcast_in_dim3A_104 = vector.broadcast %jit3A_103 : f32 to vector<256x2048xf32>
    %select_n3A_105 = arith.select %eq3A_102, %broadcast_in_dim3A_104, %select_n3A_89 : vector<256x2048xi1>, vector<256x2048xf32>
    %reduce_min3A_106 = arith.constant dense<0x7F800000> : vector<256xf32>
    %reduce_min3A_107 = vector.multi_reduction <minimumf>, %select_n3A_105, %reduce_min3A_106 [1] : vector<256x2048xf32> to vector<256xf32>
    %broadcast_in_dim3A_108 = vector.shape_cast %reduce_min3A_107 : vector<256xf32> to vector<256x1xf32>
    %eq3A_109 = vector.broadcast %broadcast_in_dim3A_108 : vector<256x1xf32> to vector<256x2048xf32>
    %eq3A_110 = arith.cmpf oeq, %select_n3A_105, %eq3A_109 : vector<256x2048xf32>
    %jit3A_111 = arith.constant 2147483647 : i32
    %broadcast_in_dim3A_112 = vector.broadcast %jit3A_111 : i32 to vector<256x2048xi32>
    %select_n3A_113 = arith.select %eq3A_110, %add3A_45, %broadcast_in_dim3A_112 : vector<256x2048xi1>, vector<256x2048xi32>
    %reduce_min3A_114 = arith.constant dense<2147483647> : vector<256xi32>
    %reduce_min3A_115 = vector.multi_reduction <minsi>, %select_n3A_113, %reduce_min3A_114 [1] : vector<256x2048xi32> to vector<256xi32>
    %broadcast_in_dim3A_116 = vector.shape_cast %reduce_min3A_115 : vector<256xi32> to vector<256x1xi32>
    %eq3A_117 = vector.broadcast %broadcast_in_dim3A_116 : vector<256x1xi32> to vector<256x2048xi32>
    %eq3A_118 = arith.cmpi eq, %add3A_45, %eq3A_117 : vector<256x2048xi32>
    %jit3A_119 = arith.constant 0x7F800000 : f32
    %broadcast_in_dim3A_120 = vector.broadcast %jit3A_119 : f32 to vector<256x2048xf32>
    %select_n3A_121 = arith.select %eq3A_118, %broadcast_in_dim3A_120, %select_n3A_105 : vector<256x2048xi1>, vector<256x2048xf32>
    %reduce_min3A_122 = arith.constant dense<0x7F800000> : vector<256xf32>
    %reduce_min3A_123 = vector.multi_reduction <minimumf>, %select_n3A_121, %reduce_min3A_122 [1] : vector<256x2048xf32> to vector<256xf32>
    %broadcast_in_dim3A_124 = vector.shape_cast %reduce_min3A_123 : vector<256xf32> to vector<256x1xf32>
    %eq3A_125 = vector.broadcast %broadcast_in_dim3A_124 : vector<256x1xf32> to vector<256x2048xf32>
    %eq3A_126 = arith.cmpf oeq, %select_n3A_121, %eq3A_125 : vector<256x2048xf32>
    %jit3A_127 = arith.constant 2147483647 : i32
    %broadcast_in_dim3A_128 = vector.broadcast %jit3A_127 : i32 to vector<256x2048xi32>
    %select_n3A_129 = arith.select %eq3A_126, %add3A_45, %broadcast_in_dim3A_128 : vector<256x2048xi1>, vector<256x2048xi32>
    %reduce_min3A_130 = arith.constant dense<2147483647> : vector<256xi32>
    %reduce_min3A_131 = vector.multi_reduction <minsi>, %select_n3A_129, %reduce_min3A_130 [1] : vector<256x2048xi32> to vector<256xi32>
    %broadcast_in_dim3A_132 = vector.shape_cast %reduce_min3A_131 : vector<256xi32> to vector<256x1xi32>
    %eq3A_133 = vector.broadcast %broadcast_in_dim3A_132 : vector<256x1xi32> to vector<256x2048xi32>
    %eq3A_134 = arith.cmpi eq, %add3A_45, %eq3A_133 : vector<256x2048xi32>
    %jit3A_135 = arith.constant 0x7F800000 : f32
    %broadcast_in_dim3A_136 = vector.broadcast %jit3A_135 : f32 to vector<256x2048xf32>
    %select_n3A_137 = arith.select %eq3A_134, %broadcast_in_dim3A_136, %select_n3A_121 : vector<256x2048xi1>, vector<256x2048xf32>
    %reduce_min3A_138 = arith.constant dense<0x7F800000> : vector<256xf32>
    %reduce_min3A_139 = vector.multi_reduction <minimumf>, %select_n3A_137, %reduce_min3A_138 [1] : vector<256x2048xf32> to vector<256xf32>
    %broadcast_in_dim3A_140 = vector.shape_cast %reduce_min3A_139 : vector<256xf32> to vector<256x1xf32>
    %eq3A_141 = vector.broadcast %broadcast_in_dim3A_140 : vector<256x1xf32> to vector<256x2048xf32>
    %eq3A_142 = arith.cmpf oeq, %select_n3A_137, %eq3A_141 : vector<256x2048xf32>
    %jit3A_143 = arith.constant 2147483647 : i32
    %broadcast_in_dim3A_144 = vector.broadcast %jit3A_143 : i32 to vector<256x2048xi32>
    %select_n3A_145 = arith.select %eq3A_142, %add3A_45, %broadcast_in_dim3A_144 : vector<256x2048xi1>, vector<256x2048xi32>
    %reduce_min3A_146 = arith.constant dense<2147483647> : vector<256xi32>
    %reduce_min3A_147 = vector.multi_reduction <minsi>, %select_n3A_145, %reduce_min3A_146 [1] : vector<256x2048xi32> to vector<256xi32>
    %broadcast_in_dim3A_148 = vector.shape_cast %reduce_min3A_147 : vector<256xi32> to vector<256x1xi32>
    %eq3A_149 = vector.broadcast %broadcast_in_dim3A_148 : vector<256x1xi32> to vector<256x2048xi32>
    %eq3A_150 = arith.cmpi eq, %add3A_45, %eq3A_149 : vector<256x2048xi32>
    %jit3A_151 = arith.constant 0x7F800000 : f32
    %broadcast_in_dim3A_152 = vector.broadcast %jit3A_151 : f32 to vector<256x2048xf32>
    %select_n3A_153 = arith.select %eq3A_150, %broadcast_in_dim3A_152, %select_n3A_137 : vector<256x2048xi1>, vector<256x2048xf32>
    %reduce_min3A_154 = arith.constant dense<0x7F800000> : vector<256xf32>
    %reduce_min3A_155 = vector.multi_reduction <minimumf>, %select_n3A_153, %reduce_min3A_154 [1] : vector<256x2048xf32> to vector<256xf32>
    %broadcast_in_dim3A_156 = vector.shape_cast %reduce_min3A_155 : vector<256xf32> to vector<256x1xf32>
    %eq3A_157 = vector.broadcast %broadcast_in_dim3A_156 : vector<256x1xf32> to vector<256x2048xf32>
    %eq3A_158 = arith.cmpf oeq, %select_n3A_153, %eq3A_157 : vector<256x2048xf32>
    %jit3A_159 = arith.constant 2147483647 : i32
    %broadcast_in_dim3A_160 = vector.broadcast %jit3A_159 : i32 to vector<256x2048xi32>
    %select_n3A_161 = arith.select %eq3A_158, %add3A_45, %broadcast_in_dim3A_160 : vector<256x2048xi1>, vector<256x2048xi32>
    %reduce_min3A_162 = arith.constant dense<2147483647> : vector<256xi32>
    %reduce_min3A_163 = vector.multi_reduction <minsi>, %select_n3A_161, %reduce_min3A_162 [1] : vector<256x2048xi32> to vector<256xi32>
    %broadcast_in_dim3A_164 = vector.shape_cast %reduce_min3A_163 : vector<256xi32> to vector<256x1xi32>
    %eq3A_165 = vector.broadcast %broadcast_in_dim3A_164 : vector<256x1xi32> to vector<256x2048xi32>
    %eq3A_166 = arith.cmpi eq, %add3A_45, %eq3A_165 : vector<256x2048xi32>
    %jit3A_167 = arith.constant 0x7F800000 : f32
    %broadcast_in_dim3A_168 = vector.broadcast %jit3A_167 : f32 to vector<256x2048xf32>
    %select_n3A_169 = arith.select %eq3A_166, %broadcast_in_dim3A_168, %select_n3A_153 : vector<256x2048xi1>, vector<256x2048xf32>
    %reduce_min3A_170 = arith.constant dense<0x7F800000> : vector<256xf32>
    %reduce_min3A_171 = vector.multi_reduction <minimumf>, %select_n3A_169, %reduce_min3A_170 [1] : vector<256x2048xf32> to vector<256xf32>
    %broadcast_in_dim3A_172 = vector.shape_cast %reduce_min3A_171 : vector<256xf32> to vector<256x1xf32>
    %eq3A_173 = vector.broadcast %broadcast_in_dim3A_172 : vector<256x1xf32> to vector<256x2048xf32>
    %eq3A_174 = arith.cmpf oeq, %select_n3A_169, %eq3A_173 : vector<256x2048xf32>
    %jit3A_175 = arith.constant 2147483647 : i32
    %broadcast_in_dim3A_176 = vector.broadcast %jit3A_175 : i32 to vector<256x2048xi32>
    %select_n3A_177 = arith.select %eq3A_174, %add3A_45, %broadcast_in_dim3A_176 : vector<256x2048xi1>, vector<256x2048xi32>
    %reduce_min3A_178 = arith.constant dense<2147483647> : vector<256xi32>
    %reduce_min3A_179 = vector.multi_reduction <minsi>, %select_n3A_177, %reduce_min3A_178 [1] : vector<256x2048xi32> to vector<256xi32>
    %broadcast_in_dim3A_180 = vector.shape_cast %reduce_min3A_179 : vector<256xi32> to vector<256x1xi32>
    %eq3A_181 = vector.broadcast %broadcast_in_dim3A_180 : vector<256x1xi32> to vector<256x2048xi32>
    %eq3A_182 = arith.cmpi eq, %add3A_45, %eq3A_181 : vector<256x2048xi32>
    %jit3A_183 = arith.constant 0x7F800000 : f32
    %broadcast_in_dim3A_184 = vector.broadcast %jit3A_183 : f32 to vector<256x2048xf32>
    %select_n3A_185 = arith.select %eq3A_182, %broadcast_in_dim3A_184, %select_n3A_169 : vector<256x2048xi1>, vector<256x2048xf32>
    %reduce_min3A_186 = arith.constant dense<0x7F800000> : vector<256xf32>
    %reduce_min3A_187 = vector.multi_reduction <minimumf>, %select_n3A_185, %reduce_min3A_186 [1] : vector<256x2048xf32> to vector<256xf32>
    %broadcast_in_dim3A_188 = vector.shape_cast %reduce_min3A_187 : vector<256xf32> to vector<256x1xf32>
    %eq3A_189 = vector.broadcast %broadcast_in_dim3A_188 : vector<256x1xf32> to vector<256x2048xf32>
    %eq3A_190 = arith.cmpf oeq, %select_n3A_185, %eq3A_189 : vector<256x2048xf32>
    %jit3A_191 = arith.constant 2147483647 : i32
    %broadcast_in_dim3A_192 = vector.broadcast %jit3A_191 : i32 to vector<256x2048xi32>
    %select_n3A_193 = arith.select %eq3A_190, %add3A_45, %broadcast_in_dim3A_192 : vector<256x2048xi1>, vector<256x2048xi32>
    %reduce_min3A_194 = arith.constant dense<2147483647> : vector<256xi32>
    %reduce_min3A_195 = vector.multi_reduction <minsi>, %select_n3A_193, %reduce_min3A_194 [1] : vector<256x2048xi32> to vector<256xi32>
    %broadcast_in_dim3A_196 = vector.shape_cast %reduce_min3A_195 : vector<256xi32> to vector<256x1xi32>
    %eq3A_197 = vector.broadcast %broadcast_in_dim3A_196 : vector<256x1xi32> to vector<256x2048xi32>
    %eq3A_198 = arith.cmpi eq, %add3A_45, %eq3A_197 : vector<256x2048xi32>
    %jit3A_199 = arith.constant 0x7F800000 : f32
    %broadcast_in_dim3A_200 = vector.broadcast %jit3A_199 : f32 to vector<256x2048xf32>
    %select_n3A_201 = arith.select %eq3A_198, %broadcast_in_dim3A_200, %select_n3A_185 : vector<256x2048xi1>, vector<256x2048xf32>
    %reduce_min3A_202 = arith.constant dense<0x7F800000> : vector<256xf32>
    %reduce_min3A_203 = vector.multi_reduction <minimumf>, %select_n3A_201, %reduce_min3A_202 [1] : vector<256x2048xf32> to vector<256xf32>
    %broadcast_in_dim3A_204 = vector.shape_cast %reduce_min3A_203 : vector<256xf32> to vector<256x1xf32>
    %eq3A_205 = vector.broadcast %broadcast_in_dim3A_204 : vector<256x1xf32> to vector<256x2048xf32>
    %eq3A_206 = arith.cmpf oeq, %select_n3A_201, %eq3A_205 : vector<256x2048xf32>
    %jit3A_207 = arith.constant 2147483647 : i32
    %broadcast_in_dim3A_208 = vector.broadcast %jit3A_207 : i32 to vector<256x2048xi32>
    %select_n3A_209 = arith.select %eq3A_206, %add3A_45, %broadcast_in_dim3A_208 : vector<256x2048xi1>, vector<256x2048xi32>
    %reduce_min3A_210 = arith.constant dense<2147483647> : vector<256xi32>
    %reduce_min3A_211 = vector.multi_reduction <minsi>, %select_n3A_209, %reduce_min3A_210 [1] : vector<256x2048xi32> to vector<256xi32>
    %broadcast_in_dim3A_212 = vector.shape_cast %reduce_min3A_211 : vector<256xi32> to vector<256x1xi32>
    %eq3A_213 = vector.broadcast %broadcast_in_dim3A_212 : vector<256x1xi32> to vector<256x2048xi32>
    %eq3A_214 = arith.cmpi eq, %add3A_45, %eq3A_213 : vector<256x2048xi32>
    %jit3A_215 = arith.constant 0x7F800000 : f32
    %broadcast_in_dim3A_216 = vector.broadcast %jit3A_215 : f32 to vector<256x2048xf32>
    %select_n3A_217 = arith.select %eq3A_214, %broadcast_in_dim3A_216, %select_n3A_201 : vector<256x2048xi1>, vector<256x2048xf32>
    %reduce_min3A_218 = arith.constant dense<0x7F800000> : vector<256xf32>
    %reduce_min3A_219 = vector.multi_reduction <minimumf>, %select_n3A_217, %reduce_min3A_218 [1] : vector<256x2048xf32> to vector<256xf32>
    %broadcast_in_dim3A_220 = vector.shape_cast %reduce_min3A_219 : vector<256xf32> to vector<256x1xf32>
    %eq3A_221 = vector.broadcast %broadcast_in_dim3A_220 : vector<256x1xf32> to vector<256x2048xf32>
    %eq3A_222 = arith.cmpf oeq, %select_n3A_217, %eq3A_221 : vector<256x2048xf32>
    %jit3A_223 = arith.constant 2147483647 : i32
    %broadcast_in_dim3A_224 = vector.broadcast %jit3A_223 : i32 to vector<256x2048xi32>
    %select_n3A_225 = arith.select %eq3A_222, %add3A_45, %broadcast_in_dim3A_224 : vector<256x2048xi1>, vector<256x2048xi32>
    %reduce_min3A_226 = arith.constant dense<2147483647> : vector<256xi32>
    %reduce_min3A_227 = vector.multi_reduction <minsi>, %select_n3A_225, %reduce_min3A_226 [1] : vector<256x2048xi32> to vector<256xi32>
    %broadcast_in_dim3A_228 = vector.shape_cast %reduce_min3A_227 : vector<256xi32> to vector<256x1xi32>
    %eq3A_229 = vector.broadcast %broadcast_in_dim3A_228 : vector<256x1xi32> to vector<256x2048xi32>
    %eq3A_230 = arith.cmpi eq, %add3A_45, %eq3A_229 : vector<256x2048xi32>
    %jit3A_231 = arith.constant 0x7F800000 : f32
    %broadcast_in_dim3A_232 = vector.broadcast %jit3A_231 : f32 to vector<256x2048xf32>
    %select_n3A_233 = arith.select %eq3A_230, %broadcast_in_dim3A_232, %select_n3A_217 : vector<256x2048xi1>, vector<256x2048xf32>
    %reduce_min3A_234 = arith.constant dense<0x7F800000> : vector<256xf32>
    %reduce_min3A_235 = vector.multi_reduction <minimumf>, %select_n3A_233, %reduce_min3A_234 [1] : vector<256x2048xf32> to vector<256xf32>
    %broadcast_in_dim3A_236 = vector.shape_cast %reduce_min3A_235 : vector<256xf32> to vector<256x1xf32>
    %eq3A_237 = vector.broadcast %broadcast_in_dim3A_236 : vector<256x1xf32> to vector<256x2048xf32>
    %eq3A_238 = arith.cmpf oeq, %select_n3A_233, %eq3A_237 : vector<256x2048xf32>
    %jit3A_239 = arith.constant 2147483647 : i32
    %broadcast_in_dim3A_240 = vector.broadcast %jit3A_239 : i32 to vector<256x2048xi32>
    %select_n3A_241 = arith.select %eq3A_238, %add3A_45, %broadcast_in_dim3A_240 : vector<256x2048xi1>, vector<256x2048xi32>
    %reduce_min3A_242 = arith.constant dense<2147483647> : vector<256xi32>
    %reduce_min3A_243 = vector.multi_reduction <minsi>, %select_n3A_241, %reduce_min3A_242 [1] : vector<256x2048xi32> to vector<256xi32>
    %broadcast_in_dim3A_244 = vector.shape_cast %reduce_min3A_243 : vector<256xi32> to vector<256x1xi32>
    %eq3A_245 = vector.broadcast %broadcast_in_dim3A_244 : vector<256x1xi32> to vector<256x2048xi32>
    %eq3A_246 = arith.cmpi eq, %add3A_45, %eq3A_245 : vector<256x2048xi32>
    %jit3A_247 = arith.constant 0x7F800000 : f32
    %broadcast_in_dim3A_248 = vector.broadcast %jit3A_247 : f32 to vector<256x2048xf32>
    %select_n3A_249 = arith.select %eq3A_246, %broadcast_in_dim3A_248, %select_n3A_233 : vector<256x2048xi1>, vector<256x2048xf32>
    %reduce_min3A_250 = arith.constant dense<0x7F800000> : vector<256xf32>
    %reduce_min3A_251 = vector.multi_reduction <minimumf>, %select_n3A_249, %reduce_min3A_250 [1] : vector<256x2048xf32> to vector<256xf32>
    %broadcast_in_dim3A_252 = vector.shape_cast %reduce_min3A_251 : vector<256xf32> to vector<256x1xf32>
    %eq3A_253 = vector.broadcast %broadcast_in_dim3A_252 : vector<256x1xf32> to vector<256x2048xf32>
    %eq3A_254 = arith.cmpf oeq, %select_n3A_249, %eq3A_253 : vector<256x2048xf32>
    %jit3A_255 = arith.constant 2147483647 : i32
    %broadcast_in_dim3A_256 = vector.broadcast %jit3A_255 : i32 to vector<256x2048xi32>
    %select_n3A_257 = arith.select %eq3A_254, %add3A_45, %broadcast_in_dim3A_256 : vector<256x2048xi1>, vector<256x2048xi32>
    %reduce_min3A_258 = arith.constant dense<2147483647> : vector<256xi32>
    %reduce_min3A_259 = vector.multi_reduction <minsi>, %select_n3A_257, %reduce_min3A_258 [1] : vector<256x2048xi32> to vector<256xi32>
    %broadcast_in_dim3A_260 = vector.shape_cast %reduce_min3A_259 : vector<256xi32> to vector<256x1xi32>
    %eq3A_261 = vector.broadcast %broadcast_in_dim3A_260 : vector<256x1xi32> to vector<256x2048xi32>
    %eq3A_262 = arith.cmpi eq, %add3A_45, %eq3A_261 : vector<256x2048xi32>
    %jit3A_263 = arith.constant 0x7F800000 : f32
    %broadcast_in_dim3A_264 = vector.broadcast %jit3A_263 : f32 to vector<256x2048xf32>
    %select_n3A_265 = arith.select %eq3A_262, %broadcast_in_dim3A_264, %select_n3A_249 : vector<256x2048xi1>, vector<256x2048xf32>
    %reduce_min3A_266 = arith.constant dense<0x7F800000> : vector<256xf32>
    %reduce_min3A_267 = vector.multi_reduction <minimumf>, %select_n3A_265, %reduce_min3A_266 [1] : vector<256x2048xf32> to vector<256xf32>
    %broadcast_in_dim3A_268 = vector.shape_cast %reduce_min3A_267 : vector<256xf32> to vector<256x1xf32>
    %eq3A_269 = vector.broadcast %broadcast_in_dim3A_268 : vector<256x1xf32> to vector<256x2048xf32>
    %eq3A_270 = arith.cmpf oeq, %select_n3A_265, %eq3A_269 : vector<256x2048xf32>
    %jit3A_271 = arith.constant 2147483647 : i32
    %broadcast_in_dim3A_272 = vector.broadcast %jit3A_271 : i32 to vector<256x2048xi32>
    %select_n3A_273 = arith.select %eq3A_270, %add3A_45, %broadcast_in_dim3A_272 : vector<256x2048xi1>, vector<256x2048xi32>
    %reduce_min3A_274 = arith.constant dense<2147483647> : vector<256xi32>
    %reduce_min3A_275 = vector.multi_reduction <minsi>, %select_n3A_273, %reduce_min3A_274 [1] : vector<256x2048xi32> to vector<256xi32>
    %broadcast_in_dim3A_276 = vector.shape_cast %reduce_min3A_275 : vector<256xi32> to vector<256x1xi32>
    %eq3A_277 = vector.broadcast %broadcast_in_dim3A_276 : vector<256x1xi32> to vector<256x2048xi32>
    %eq3A_278 = arith.cmpi eq, %add3A_45, %eq3A_277 : vector<256x2048xi32>
    %jit3A_279 = arith.constant 0x7F800000 : f32
    %broadcast_in_dim3A_280 = vector.broadcast %jit3A_279 : f32 to vector<256x2048xf32>
    %select_n3A_281 = arith.select %eq3A_278, %broadcast_in_dim3A_280, %select_n3A_265 : vector<256x2048xi1>, vector<256x2048xf32>
    %reduce_min3A_282 = arith.constant dense<0x7F800000> : vector<256xf32>
    %reduce_min3A_283 = vector.multi_reduction <minimumf>, %select_n3A_281, %reduce_min3A_282 [1] : vector<256x2048xf32> to vector<256xf32>
    %broadcast_in_dim3A_284 = vector.shape_cast %reduce_min3A_283 : vector<256xf32> to vector<256x1xf32>
    %eq3A_285 = vector.broadcast %broadcast_in_dim3A_284 : vector<256x1xf32> to vector<256x2048xf32>
    %eq3A_286 = arith.cmpf oeq, %select_n3A_281, %eq3A_285 : vector<256x2048xf32>
    %jit3A_287 = arith.constant 2147483647 : i32
    %broadcast_in_dim3A_288 = vector.broadcast %jit3A_287 : i32 to vector<256x2048xi32>
    %select_n3A_289 = arith.select %eq3A_286, %add3A_45, %broadcast_in_dim3A_288 : vector<256x2048xi1>, vector<256x2048xi32>
    %reduce_min3A_290 = arith.constant dense<2147483647> : vector<256xi32>
    %reduce_min3A_291 = vector.multi_reduction <minsi>, %select_n3A_289, %reduce_min3A_290 [1] : vector<256x2048xi32> to vector<256xi32>
    %broadcast_in_dim3A_292 = vector.shape_cast %reduce_min3A_291 : vector<256xi32> to vector<256x1xi32>
    %concatenate3A = tpu.concatenate %broadcast_in_dim3A, %broadcast_in_dim3A_60, %broadcast_in_dim3A_76, %broadcast_in_dim3A_92, %broadcast_in_dim3A_108, %broadcast_in_dim3A_124, %broadcast_in_dim3A_140, %broadcast_in_dim3A_156, %broadcast_in_dim3A_172, %broadcast_in_dim3A_188, %broadcast_in_dim3A_204, %broadcast_in_dim3A_220, %broadcast_in_dim3A_236, %broadcast_in_dim3A_252, %broadcast_in_dim3A_268, %broadcast_in_dim3A_284 in 1 : vector<256x1xf32>, vector<256x1xf32>, vector<256x1xf32>, vector<256x1xf32>, vector<256x1xf32>, vector<256x1xf32>, vector<256x1xf32>, vector<256x1xf32>, vector<256x1xf32>, vector<256x1xf32>, vector<256x1xf32>, vector<256x1xf32>, vector<256x1xf32>, vector<256x1xf32>, vector<256x1xf32>, vector<256x1xf32> -> vector<256x16xf32>
    %concatenate3A_293 = tpu.concatenate %broadcast_in_dim3A_52, %broadcast_in_dim3A_68, %broadcast_in_dim3A_84, %broadcast_in_dim3A_100, %broadcast_in_dim3A_116, %broadcast_in_dim3A_132, %broadcast_in_dim3A_148, %broadcast_in_dim3A_164, %broadcast_in_dim3A_180, %broadcast_in_dim3A_196, %broadcast_in_dim3A_212, %broadcast_in_dim3A_228, %broadcast_in_dim3A_244, %broadcast_in_dim3A_260, %broadcast_in_dim3A_276, %broadcast_in_dim3A_292 in 1 : vector<256x1xi32>, vector<256x1xi32>, vector<256x1xi32>, vector<256x1xi32>, vector<256x1xi32>, vector<256x1xi32>, vector<256x1xi32>, vector<256x1xi32>, vector<256x1xi32>, vector<256x1xi32>, vector<256x1xi32>, vector<256x1xi32>, vector<256x1xi32>, vector<256x1xi32>, vector<256x1xi32>, vector<256x1xi32> -> vector<256x16xi32>
    %get3A_294 = arith.constant 0 : index
    %get3A_295 = arith.constant 0 : index
    %get3A_296 = vector.load %arg5[%get3A_294, %get3A_295] : memref<256x16xf32, #tpu.memory_space<vmem>>, vector<256x16xf32>
    %concatenate3A_297 = tpu.concatenate %get3A_296, %concatenate3A in 1 : vector<256x16xf32>, vector<256x16xf32> -> vector<256x32xf32>
    %get3A_298 = arith.constant 0 : index
    %get3A_299 = arith.constant 0 : index
    %get3A_300 = vector.load %arg6[%get3A_298, %get3A_299] : memref<256x16xi32, #tpu.memory_space<vmem>>, vector<256x16xi32>
    %concatenate3A_301 = tpu.concatenate %get3A_300, %concatenate3A_293 in 1 : vector<256x16xi32>, vector<256x16xi32> -> vector<256x32xi32>
    %reduce_min3A_302 = arith.constant dense<0x7F800000> : vector<256xf32>
    %reduce_min3A_303 = vector.multi_reduction <minimumf>, %concatenate3A_297, %reduce_min3A_302 [1] : vector<256x32xf32> to vector<256xf32>
    %broadcast_in_dim3A_304 = vector.shape_cast %reduce_min3A_303 : vector<256xf32> to vector<256x1xf32>
    %eq3A_305 = vector.broadcast %broadcast_in_dim3A_304 : vector<256x1xf32> to vector<256x32xf32>
    %eq3A_306 = arith.cmpf oeq, %concatenate3A_297, %eq3A_305 : vector<256x32xf32>
    %jit3A_307 = arith.constant 2147483647 : i32
    %broadcast_in_dim3A_308 = vector.broadcast %jit3A_307 : i32 to vector<256x32xi32>
    %select_n3A_309 = arith.select %eq3A_306, %concatenate3A_301, %broadcast_in_dim3A_308 : vector<256x32xi1>, vector<256x32xi32>
    %reduce_min3A_310 = arith.constant dense<2147483647> : vector<256xi32>
    %reduce_min3A_311 = vector.multi_reduction <minsi>, %select_n3A_309, %reduce_min3A_310 [1] : vector<256x32xi32> to vector<256xi32>
    %broadcast_in_dim3A_312 = vector.shape_cast %reduce_min3A_311 : vector<256xi32> to vector<256x1xi32>
    %eq3A_313 = vector.broadcast %broadcast_in_dim3A_312 : vector<256x1xi32> to vector<256x32xi32>
    %eq3A_314 = arith.cmpi eq, %concatenate3A_301, %eq3A_313 : vector<256x32xi32>
    %jit3A_315 = arith.constant 0x7F800000 : f32
    %broadcast_in_dim3A_316 = vector.broadcast %jit3A_315 : f32 to vector<256x32xf32>
    %select_n3A_317 = arith.select %eq3A_314, %broadcast_in_dim3A_316, %concatenate3A_297 : vector<256x32xi1>, vector<256x32xf32>
    %reduce_min3A_318 = arith.constant dense<0x7F800000> : vector<256xf32>
    %reduce_min3A_319 = vector.multi_reduction <minimumf>, %select_n3A_317, %reduce_min3A_318 [1] : vector<256x32xf32> to vector<256xf32>
    %broadcast_in_dim3A_320 = vector.shape_cast %reduce_min3A_319 : vector<256xf32> to vector<256x1xf32>
    %eq3A_321 = vector.broadcast %broadcast_in_dim3A_320 : vector<256x1xf32> to vector<256x32xf32>
    %eq3A_322 = arith.cmpf oeq, %select_n3A_317, %eq3A_321 : vector<256x32xf32>
    %jit3A_323 = arith.constant 2147483647 : i32
    %broadcast_in_dim3A_324 = vector.broadcast %jit3A_323 : i32 to vector<256x32xi32>
    %select_n3A_325 = arith.select %eq3A_322, %concatenate3A_301, %broadcast_in_dim3A_324 : vector<256x32xi1>, vector<256x32xi32>
    %reduce_min3A_326 = arith.constant dense<2147483647> : vector<256xi32>
    %reduce_min3A_327 = vector.multi_reduction <minsi>, %select_n3A_325, %reduce_min3A_326 [1] : vector<256x32xi32> to vector<256xi32>
    %broadcast_in_dim3A_328 = vector.shape_cast %reduce_min3A_327 : vector<256xi32> to vector<256x1xi32>
    %eq3A_329 = vector.broadcast %broadcast_in_dim3A_328 : vector<256x1xi32> to vector<256x32xi32>
    %eq3A_330 = arith.cmpi eq, %concatenate3A_301, %eq3A_329 : vector<256x32xi32>
    %jit3A_331 = arith.constant 0x7F800000 : f32
    %broadcast_in_dim3A_332 = vector.broadcast %jit3A_331 : f32 to vector<256x32xf32>
    %select_n3A_333 = arith.select %eq3A_330, %broadcast_in_dim3A_332, %select_n3A_317 : vector<256x32xi1>, vector<256x32xf32>
    %reduce_min3A_334 = arith.constant dense<0x7F800000> : vector<256xf32>
    %reduce_min3A_335 = vector.multi_reduction <minimumf>, %select_n3A_333, %reduce_min3A_334 [1] : vector<256x32xf32> to vector<256xf32>
    %broadcast_in_dim3A_336 = vector.shape_cast %reduce_min3A_335 : vector<256xf32> to vector<256x1xf32>
    %eq3A_337 = vector.broadcast %broadcast_in_dim3A_336 : vector<256x1xf32> to vector<256x32xf32>
    %eq3A_338 = arith.cmpf oeq, %select_n3A_333, %eq3A_337 : vector<256x32xf32>
    %jit3A_339 = arith.constant 2147483647 : i32
    %broadcast_in_dim3A_340 = vector.broadcast %jit3A_339 : i32 to vector<256x32xi32>
    %select_n3A_341 = arith.select %eq3A_338, %concatenate3A_301, %broadcast_in_dim3A_340 : vector<256x32xi1>, vector<256x32xi32>
    %reduce_min3A_342 = arith.constant dense<2147483647> : vector<256xi32>
    %reduce_min3A_343 = vector.multi_reduction <minsi>, %select_n3A_341, %reduce_min3A_342 [1] : vector<256x32xi32> to vector<256xi32>
    %broadcast_in_dim3A_344 = vector.shape_cast %reduce_min3A_343 : vector<256xi32> to vector<256x1xi32>
    %eq3A_345 = vector.broadcast %broadcast_in_dim3A_344 : vector<256x1xi32> to vector<256x32xi32>
    %eq3A_346 = arith.cmpi eq, %concatenate3A_301, %eq3A_345 : vector<256x32xi32>
    %jit3A_347 = arith.constant 0x7F800000 : f32
    %broadcast_in_dim3A_348 = vector.broadcast %jit3A_347 : f32 to vector<256x32xf32>
    %select_n3A_349 = arith.select %eq3A_346, %broadcast_in_dim3A_348, %select_n3A_333 : vector<256x32xi1>, vector<256x32xf32>
    %reduce_min3A_350 = arith.constant dense<0x7F800000> : vector<256xf32>
    %reduce_min3A_351 = vector.multi_reduction <minimumf>, %select_n3A_349, %reduce_min3A_350 [1] : vector<256x32xf32> to vector<256xf32>
    %broadcast_in_dim3A_352 = vector.shape_cast %reduce_min3A_351 : vector<256xf32> to vector<256x1xf32>
    %eq3A_353 = vector.broadcast %broadcast_in_dim3A_352 : vector<256x1xf32> to vector<256x32xf32>
    %eq3A_354 = arith.cmpf oeq, %select_n3A_349, %eq3A_353 : vector<256x32xf32>
    %jit3A_355 = arith.constant 2147483647 : i32
    %broadcast_in_dim3A_356 = vector.broadcast %jit3A_355 : i32 to vector<256x32xi32>
    %select_n3A_357 = arith.select %eq3A_354, %concatenate3A_301, %broadcast_in_dim3A_356 : vector<256x32xi1>, vector<256x32xi32>
    %reduce_min3A_358 = arith.constant dense<2147483647> : vector<256xi32>
    %reduce_min3A_359 = vector.multi_reduction <minsi>, %select_n3A_357, %reduce_min3A_358 [1] : vector<256x32xi32> to vector<256xi32>
    %broadcast_in_dim3A_360 = vector.shape_cast %reduce_min3A_359 : vector<256xi32> to vector<256x1xi32>
    %eq3A_361 = vector.broadcast %broadcast_in_dim3A_360 : vector<256x1xi32> to vector<256x32xi32>
    %eq3A_362 = arith.cmpi eq, %concatenate3A_301, %eq3A_361 : vector<256x32xi32>
    %jit3A_363 = arith.constant 0x7F800000 : f32
    %broadcast_in_dim3A_364 = vector.broadcast %jit3A_363 : f32 to vector<256x32xf32>
    %select_n3A_365 = arith.select %eq3A_362, %broadcast_in_dim3A_364, %select_n3A_349 : vector<256x32xi1>, vector<256x32xf32>
    %reduce_min3A_366 = arith.constant dense<0x7F800000> : vector<256xf32>
    %reduce_min3A_367 = vector.multi_reduction <minimumf>, %select_n3A_365, %reduce_min3A_366 [1] : vector<256x32xf32> to vector<256xf32>
    %broadcast_in_dim3A_368 = vector.shape_cast %reduce_min3A_367 : vector<256xf32> to vector<256x1xf32>
    %eq3A_369 = vector.broadcast %broadcast_in_dim3A_368 : vector<256x1xf32> to vector<256x32xf32>
    %eq3A_370 = arith.cmpf oeq, %select_n3A_365, %eq3A_369 : vector<256x32xf32>
    %jit3A_371 = arith.constant 2147483647 : i32
    %broadcast_in_dim3A_372 = vector.broadcast %jit3A_371 : i32 to vector<256x32xi32>
    %select_n3A_373 = arith.select %eq3A_370, %concatenate3A_301, %broadcast_in_dim3A_372 : vector<256x32xi1>, vector<256x32xi32>
    %reduce_min3A_374 = arith.constant dense<2147483647> : vector<256xi32>
    %reduce_min3A_375 = vector.multi_reduction <minsi>, %select_n3A_373, %reduce_min3A_374 [1] : vector<256x32xi32> to vector<256xi32>
    %broadcast_in_dim3A_376 = vector.shape_cast %reduce_min3A_375 : vector<256xi32> to vector<256x1xi32>
    %eq3A_377 = vector.broadcast %broadcast_in_dim3A_376 : vector<256x1xi32> to vector<256x32xi32>
    %eq3A_378 = arith.cmpi eq, %concatenate3A_301, %eq3A_377 : vector<256x32xi32>
    %jit3A_379 = arith.constant 0x7F800000 : f32
    %broadcast_in_dim3A_380 = vector.broadcast %jit3A_379 : f32 to vector<256x32xf32>
    %select_n3A_381 = arith.select %eq3A_378, %broadcast_in_dim3A_380, %select_n3A_365 : vector<256x32xi1>, vector<256x32xf32>
    %reduce_min3A_382 = arith.constant dense<0x7F800000> : vector<256xf32>
    %reduce_min3A_383 = vector.multi_reduction <minimumf>, %select_n3A_381, %reduce_min3A_382 [1] : vector<256x32xf32> to vector<256xf32>
    %broadcast_in_dim3A_384 = vector.shape_cast %reduce_min3A_383 : vector<256xf32> to vector<256x1xf32>
    %eq3A_385 = vector.broadcast %broadcast_in_dim3A_384 : vector<256x1xf32> to vector<256x32xf32>
    %eq3A_386 = arith.cmpf oeq, %select_n3A_381, %eq3A_385 : vector<256x32xf32>
    %jit3A_387 = arith.constant 2147483647 : i32
    %broadcast_in_dim3A_388 = vector.broadcast %jit3A_387 : i32 to vector<256x32xi32>
    %select_n3A_389 = arith.select %eq3A_386, %concatenate3A_301, %broadcast_in_dim3A_388 : vector<256x32xi1>, vector<256x32xi32>
    %reduce_min3A_390 = arith.constant dense<2147483647> : vector<256xi32>
    %reduce_min3A_391 = vector.multi_reduction <minsi>, %select_n3A_389, %reduce_min3A_390 [1] : vector<256x32xi32> to vector<256xi32>
    %broadcast_in_dim3A_392 = vector.shape_cast %reduce_min3A_391 : vector<256xi32> to vector<256x1xi32>
    %eq3A_393 = vector.broadcast %broadcast_in_dim3A_392 : vector<256x1xi32> to vector<256x32xi32>
    %eq3A_394 = arith.cmpi eq, %concatenate3A_301, %eq3A_393 : vector<256x32xi32>
    %jit3A_395 = arith.constant 0x7F800000 : f32
    %broadcast_in_dim3A_396 = vector.broadcast %jit3A_395 : f32 to vector<256x32xf32>
    %select_n3A_397 = arith.select %eq3A_394, %broadcast_in_dim3A_396, %select_n3A_381 : vector<256x32xi1>, vector<256x32xf32>
    %reduce_min3A_398 = arith.constant dense<0x7F800000> : vector<256xf32>
    %reduce_min3A_399 = vector.multi_reduction <minimumf>, %select_n3A_397, %reduce_min3A_398 [1] : vector<256x32xf32> to vector<256xf32>
    %broadcast_in_dim3A_400 = vector.shape_cast %reduce_min3A_399 : vector<256xf32> to vector<256x1xf32>
    %eq3A_401 = vector.broadcast %broadcast_in_dim3A_400 : vector<256x1xf32> to vector<256x32xf32>
    %eq3A_402 = arith.cmpf oeq, %select_n3A_397, %eq3A_401 : vector<256x32xf32>
    %jit3A_403 = arith.constant 2147483647 : i32
    %broadcast_in_dim3A_404 = vector.broadcast %jit3A_403 : i32 to vector<256x32xi32>
    %select_n3A_405 = arith.select %eq3A_402, %concatenate3A_301, %broadcast_in_dim3A_404 : vector<256x32xi1>, vector<256x32xi32>
    %reduce_min3A_406 = arith.constant dense<2147483647> : vector<256xi32>
    %reduce_min3A_407 = vector.multi_reduction <minsi>, %select_n3A_405, %reduce_min3A_406 [1] : vector<256x32xi32> to vector<256xi32>
    %broadcast_in_dim3A_408 = vector.shape_cast %reduce_min3A_407 : vector<256xi32> to vector<256x1xi32>
    %eq3A_409 = vector.broadcast %broadcast_in_dim3A_408 : vector<256x1xi32> to vector<256x32xi32>
    %eq3A_410 = arith.cmpi eq, %concatenate3A_301, %eq3A_409 : vector<256x32xi32>
    %jit3A_411 = arith.constant 0x7F800000 : f32
    %broadcast_in_dim3A_412 = vector.broadcast %jit3A_411 : f32 to vector<256x32xf32>
    %select_n3A_413 = arith.select %eq3A_410, %broadcast_in_dim3A_412, %select_n3A_397 : vector<256x32xi1>, vector<256x32xf32>
    %reduce_min3A_414 = arith.constant dense<0x7F800000> : vector<256xf32>
    %reduce_min3A_415 = vector.multi_reduction <minimumf>, %select_n3A_413, %reduce_min3A_414 [1] : vector<256x32xf32> to vector<256xf32>
    %broadcast_in_dim3A_416 = vector.shape_cast %reduce_min3A_415 : vector<256xf32> to vector<256x1xf32>
    %eq3A_417 = vector.broadcast %broadcast_in_dim3A_416 : vector<256x1xf32> to vector<256x32xf32>
    %eq3A_418 = arith.cmpf oeq, %select_n3A_413, %eq3A_417 : vector<256x32xf32>
    %jit3A_419 = arith.constant 2147483647 : i32
    %broadcast_in_dim3A_420 = vector.broadcast %jit3A_419 : i32 to vector<256x32xi32>
    %select_n3A_421 = arith.select %eq3A_418, %concatenate3A_301, %broadcast_in_dim3A_420 : vector<256x32xi1>, vector<256x32xi32>
    %reduce_min3A_422 = arith.constant dense<2147483647> : vector<256xi32>
    %reduce_min3A_423 = vector.multi_reduction <minsi>, %select_n3A_421, %reduce_min3A_422 [1] : vector<256x32xi32> to vector<256xi32>
    %broadcast_in_dim3A_424 = vector.shape_cast %reduce_min3A_423 : vector<256xi32> to vector<256x1xi32>
    %eq3A_425 = vector.broadcast %broadcast_in_dim3A_424 : vector<256x1xi32> to vector<256x32xi32>
    %eq3A_426 = arith.cmpi eq, %concatenate3A_301, %eq3A_425 : vector<256x32xi32>
    %jit3A_427 = arith.constant 0x7F800000 : f32
    %broadcast_in_dim3A_428 = vector.broadcast %jit3A_427 : f32 to vector<256x32xf32>
    %select_n3A_429 = arith.select %eq3A_426, %broadcast_in_dim3A_428, %select_n3A_413 : vector<256x32xi1>, vector<256x32xf32>
    %reduce_min3A_430 = arith.constant dense<0x7F800000> : vector<256xf32>
    %reduce_min3A_431 = vector.multi_reduction <minimumf>, %select_n3A_429, %reduce_min3A_430 [1] : vector<256x32xf32> to vector<256xf32>
    %broadcast_in_dim3A_432 = vector.shape_cast %reduce_min3A_431 : vector<256xf32> to vector<256x1xf32>
    %eq3A_433 = vector.broadcast %broadcast_in_dim3A_432 : vector<256x1xf32> to vector<256x32xf32>
    %eq3A_434 = arith.cmpf oeq, %select_n3A_429, %eq3A_433 : vector<256x32xf32>
    %jit3A_435 = arith.constant 2147483647 : i32
    %broadcast_in_dim3A_436 = vector.broadcast %jit3A_435 : i32 to vector<256x32xi32>
    %select_n3A_437 = arith.select %eq3A_434, %concatenate3A_301, %broadcast_in_dim3A_436 : vector<256x32xi1>, vector<256x32xi32>
    %reduce_min3A_438 = arith.constant dense<2147483647> : vector<256xi32>
    %reduce_min3A_439 = vector.multi_reduction <minsi>, %select_n3A_437, %reduce_min3A_438 [1] : vector<256x32xi32> to vector<256xi32>
    %broadcast_in_dim3A_440 = vector.shape_cast %reduce_min3A_439 : vector<256xi32> to vector<256x1xi32>
    %eq3A_441 = vector.broadcast %broadcast_in_dim3A_440 : vector<256x1xi32> to vector<256x32xi32>
    %eq3A_442 = arith.cmpi eq, %concatenate3A_301, %eq3A_441 : vector<256x32xi32>
    %jit3A_443 = arith.constant 0x7F800000 : f32
    %broadcast_in_dim3A_444 = vector.broadcast %jit3A_443 : f32 to vector<256x32xf32>
    %select_n3A_445 = arith.select %eq3A_442, %broadcast_in_dim3A_444, %select_n3A_429 : vector<256x32xi1>, vector<256x32xf32>
    %reduce_min3A_446 = arith.constant dense<0x7F800000> : vector<256xf32>
    %reduce_min3A_447 = vector.multi_reduction <minimumf>, %select_n3A_445, %reduce_min3A_446 [1] : vector<256x32xf32> to vector<256xf32>
    %broadcast_in_dim3A_448 = vector.shape_cast %reduce_min3A_447 : vector<256xf32> to vector<256x1xf32>
    %eq3A_449 = vector.broadcast %broadcast_in_dim3A_448 : vector<256x1xf32> to vector<256x32xf32>
    %eq3A_450 = arith.cmpf oeq, %select_n3A_445, %eq3A_449 : vector<256x32xf32>
    %jit3A_451 = arith.constant 2147483647 : i32
    %broadcast_in_dim3A_452 = vector.broadcast %jit3A_451 : i32 to vector<256x32xi32>
    %select_n3A_453 = arith.select %eq3A_450, %concatenate3A_301, %broadcast_in_dim3A_452 : vector<256x32xi1>, vector<256x32xi32>
    %reduce_min3A_454 = arith.constant dense<2147483647> : vector<256xi32>
    %reduce_min3A_455 = vector.multi_reduction <minsi>, %select_n3A_453, %reduce_min3A_454 [1] : vector<256x32xi32> to vector<256xi32>
    %broadcast_in_dim3A_456 = vector.shape_cast %reduce_min3A_455 : vector<256xi32> to vector<256x1xi32>
    %eq3A_457 = vector.broadcast %broadcast_in_dim3A_456 : vector<256x1xi32> to vector<256x32xi32>
    %eq3A_458 = arith.cmpi eq, %concatenate3A_301, %eq3A_457 : vector<256x32xi32>
    %jit3A_459 = arith.constant 0x7F800000 : f32
    %broadcast_in_dim3A_460 = vector.broadcast %jit3A_459 : f32 to vector<256x32xf32>
    %select_n3A_461 = arith.select %eq3A_458, %broadcast_in_dim3A_460, %select_n3A_445 : vector<256x32xi1>, vector<256x32xf32>
    %reduce_min3A_462 = arith.constant dense<0x7F800000> : vector<256xf32>
    %reduce_min3A_463 = vector.multi_reduction <minimumf>, %select_n3A_461, %reduce_min3A_462 [1] : vector<256x32xf32> to vector<256xf32>
    %broadcast_in_dim3A_464 = vector.shape_cast %reduce_min3A_463 : vector<256xf32> to vector<256x1xf32>
    %eq3A_465 = vector.broadcast %broadcast_in_dim3A_464 : vector<256x1xf32> to vector<256x32xf32>
    %eq3A_466 = arith.cmpf oeq, %select_n3A_461, %eq3A_465 : vector<256x32xf32>
    %jit3A_467 = arith.constant 2147483647 : i32
    %broadcast_in_dim3A_468 = vector.broadcast %jit3A_467 : i32 to vector<256x32xi32>
    %select_n3A_469 = arith.select %eq3A_466, %concatenate3A_301, %broadcast_in_dim3A_468 : vector<256x32xi1>, vector<256x32xi32>
    %reduce_min3A_470 = arith.constant dense<2147483647> : vector<256xi32>
    %reduce_min3A_471 = vector.multi_reduction <minsi>, %select_n3A_469, %reduce_min3A_470 [1] : vector<256x32xi32> to vector<256xi32>
    %broadcast_in_dim3A_472 = vector.shape_cast %reduce_min3A_471 : vector<256xi32> to vector<256x1xi32>
    %eq3A_473 = vector.broadcast %broadcast_in_dim3A_472 : vector<256x1xi32> to vector<256x32xi32>
    %eq3A_474 = arith.cmpi eq, %concatenate3A_301, %eq3A_473 : vector<256x32xi32>
    %jit3A_475 = arith.constant 0x7F800000 : f32
    %broadcast_in_dim3A_476 = vector.broadcast %jit3A_475 : f32 to vector<256x32xf32>
    %select_n3A_477 = arith.select %eq3A_474, %broadcast_in_dim3A_476, %select_n3A_461 : vector<256x32xi1>, vector<256x32xf32>
    %reduce_min3A_478 = arith.constant dense<0x7F800000> : vector<256xf32>
    %reduce_min3A_479 = vector.multi_reduction <minimumf>, %select_n3A_477, %reduce_min3A_478 [1] : vector<256x32xf32> to vector<256xf32>
    %broadcast_in_dim3A_480 = vector.shape_cast %reduce_min3A_479 : vector<256xf32> to vector<256x1xf32>
    %eq3A_481 = vector.broadcast %broadcast_in_dim3A_480 : vector<256x1xf32> to vector<256x32xf32>
    %eq3A_482 = arith.cmpf oeq, %select_n3A_477, %eq3A_481 : vector<256x32xf32>
    %jit3A_483 = arith.constant 2147483647 : i32
    %broadcast_in_dim3A_484 = vector.broadcast %jit3A_483 : i32 to vector<256x32xi32>
    %select_n3A_485 = arith.select %eq3A_482, %concatenate3A_301, %broadcast_in_dim3A_484 : vector<256x32xi1>, vector<256x32xi32>
    %reduce_min3A_486 = arith.constant dense<2147483647> : vector<256xi32>
    %reduce_min3A_487 = vector.multi_reduction <minsi>, %select_n3A_485, %reduce_min3A_486 [1] : vector<256x32xi32> to vector<256xi32>
    %broadcast_in_dim3A_488 = vector.shape_cast %reduce_min3A_487 : vector<256xi32> to vector<256x1xi32>
    %eq3A_489 = vector.broadcast %broadcast_in_dim3A_488 : vector<256x1xi32> to vector<256x32xi32>
    %eq3A_490 = arith.cmpi eq, %concatenate3A_301, %eq3A_489 : vector<256x32xi32>
    %jit3A_491 = arith.constant 0x7F800000 : f32
    %broadcast_in_dim3A_492 = vector.broadcast %jit3A_491 : f32 to vector<256x32xf32>
    %select_n3A_493 = arith.select %eq3A_490, %broadcast_in_dim3A_492, %select_n3A_477 : vector<256x32xi1>, vector<256x32xf32>
    %reduce_min3A_494 = arith.constant dense<0x7F800000> : vector<256xf32>
    %reduce_min3A_495 = vector.multi_reduction <minimumf>, %select_n3A_493, %reduce_min3A_494 [1] : vector<256x32xf32> to vector<256xf32>
    %broadcast_in_dim3A_496 = vector.shape_cast %reduce_min3A_495 : vector<256xf32> to vector<256x1xf32>
    %eq3A_497 = vector.broadcast %broadcast_in_dim3A_496 : vector<256x1xf32> to vector<256x32xf32>
    %eq3A_498 = arith.cmpf oeq, %select_n3A_493, %eq3A_497 : vector<256x32xf32>
    %jit3A_499 = arith.constant 2147483647 : i32
    %broadcast_in_dim3A_500 = vector.broadcast %jit3A_499 : i32 to vector<256x32xi32>
    %select_n3A_501 = arith.select %eq3A_498, %concatenate3A_301, %broadcast_in_dim3A_500 : vector<256x32xi1>, vector<256x32xi32>
    %reduce_min3A_502 = arith.constant dense<2147483647> : vector<256xi32>
    %reduce_min3A_503 = vector.multi_reduction <minsi>, %select_n3A_501, %reduce_min3A_502 [1] : vector<256x32xi32> to vector<256xi32>
    %broadcast_in_dim3A_504 = vector.shape_cast %reduce_min3A_503 : vector<256xi32> to vector<256x1xi32>
    %eq3A_505 = vector.broadcast %broadcast_in_dim3A_504 : vector<256x1xi32> to vector<256x32xi32>
    %eq3A_506 = arith.cmpi eq, %concatenate3A_301, %eq3A_505 : vector<256x32xi32>
    %jit3A_507 = arith.constant 0x7F800000 : f32
    %broadcast_in_dim3A_508 = vector.broadcast %jit3A_507 : f32 to vector<256x32xf32>
    %select_n3A_509 = arith.select %eq3A_506, %broadcast_in_dim3A_508, %select_n3A_493 : vector<256x32xi1>, vector<256x32xf32>
    %reduce_min3A_510 = arith.constant dense<0x7F800000> : vector<256xf32>
    %reduce_min3A_511 = vector.multi_reduction <minimumf>, %select_n3A_509, %reduce_min3A_510 [1] : vector<256x32xf32> to vector<256xf32>
    %broadcast_in_dim3A_512 = vector.shape_cast %reduce_min3A_511 : vector<256xf32> to vector<256x1xf32>
    %eq3A_513 = vector.broadcast %broadcast_in_dim3A_512 : vector<256x1xf32> to vector<256x32xf32>
    %eq3A_514 = arith.cmpf oeq, %select_n3A_509, %eq3A_513 : vector<256x32xf32>
    %jit3A_515 = arith.constant 2147483647 : i32
    %broadcast_in_dim3A_516 = vector.broadcast %jit3A_515 : i32 to vector<256x32xi32>
    %select_n3A_517 = arith.select %eq3A_514, %concatenate3A_301, %broadcast_in_dim3A_516 : vector<256x32xi1>, vector<256x32xi32>
    %reduce_min3A_518 = arith.constant dense<2147483647> : vector<256xi32>
    %reduce_min3A_519 = vector.multi_reduction <minsi>, %select_n3A_517, %reduce_min3A_518 [1] : vector<256x32xi32> to vector<256xi32>
    %broadcast_in_dim3A_520 = vector.shape_cast %reduce_min3A_519 : vector<256xi32> to vector<256x1xi32>
    %eq3A_521 = vector.broadcast %broadcast_in_dim3A_520 : vector<256x1xi32> to vector<256x32xi32>
    %eq3A_522 = arith.cmpi eq, %concatenate3A_301, %eq3A_521 : vector<256x32xi32>
    %jit3A_523 = arith.constant 0x7F800000 : f32
    %broadcast_in_dim3A_524 = vector.broadcast %jit3A_523 : f32 to vector<256x32xf32>
    %select_n3A_525 = arith.select %eq3A_522, %broadcast_in_dim3A_524, %select_n3A_509 : vector<256x32xi1>, vector<256x32xf32>
    %reduce_min3A_526 = arith.constant dense<0x7F800000> : vector<256xf32>
    %reduce_min3A_527 = vector.multi_reduction <minimumf>, %select_n3A_525, %reduce_min3A_526 [1] : vector<256x32xf32> to vector<256xf32>
    %broadcast_in_dim3A_528 = vector.shape_cast %reduce_min3A_527 : vector<256xf32> to vector<256x1xf32>
    %eq3A_529 = vector.broadcast %broadcast_in_dim3A_528 : vector<256x1xf32> to vector<256x32xf32>
    %eq3A_530 = arith.cmpf oeq, %select_n3A_525, %eq3A_529 : vector<256x32xf32>
    %jit3A_531 = arith.constant 2147483647 : i32
    %broadcast_in_dim3A_532 = vector.broadcast %jit3A_531 : i32 to vector<256x32xi32>
    %select_n3A_533 = arith.select %eq3A_530, %concatenate3A_301, %broadcast_in_dim3A_532 : vector<256x32xi1>, vector<256x32xi32>
    %reduce_min3A_534 = arith.constant dense<2147483647> : vector<256xi32>
    %reduce_min3A_535 = vector.multi_reduction <minsi>, %select_n3A_533, %reduce_min3A_534 [1] : vector<256x32xi32> to vector<256xi32>
    %broadcast_in_dim3A_536 = vector.shape_cast %reduce_min3A_535 : vector<256xi32> to vector<256x1xi32>
    %eq3A_537 = vector.broadcast %broadcast_in_dim3A_536 : vector<256x1xi32> to vector<256x32xi32>
    %eq3A_538 = arith.cmpi eq, %concatenate3A_301, %eq3A_537 : vector<256x32xi32>
    %jit3A_539 = arith.constant 0x7F800000 : f32
    %broadcast_in_dim3A_540 = vector.broadcast %jit3A_539 : f32 to vector<256x32xf32>
    %select_n3A_541 = arith.select %eq3A_538, %broadcast_in_dim3A_540, %select_n3A_525 : vector<256x32xi1>, vector<256x32xf32>
    %reduce_min3A_542 = arith.constant dense<0x7F800000> : vector<256xf32>
    %reduce_min3A_543 = vector.multi_reduction <minimumf>, %select_n3A_541, %reduce_min3A_542 [1] : vector<256x32xf32> to vector<256xf32>
    %broadcast_in_dim3A_544 = vector.shape_cast %reduce_min3A_543 : vector<256xf32> to vector<256x1xf32>
    %eq3A_545 = vector.broadcast %broadcast_in_dim3A_544 : vector<256x1xf32> to vector<256x32xf32>
    %eq3A_546 = arith.cmpf oeq, %select_n3A_541, %eq3A_545 : vector<256x32xf32>
    %jit3A_547 = arith.constant 2147483647 : i32
    %broadcast_in_dim3A_548 = vector.broadcast %jit3A_547 : i32 to vector<256x32xi32>
    %select_n3A_549 = arith.select %eq3A_546, %concatenate3A_301, %broadcast_in_dim3A_548 : vector<256x32xi1>, vector<256x32xi32>
    %reduce_min3A_550 = arith.constant dense<2147483647> : vector<256xi32>
    %reduce_min3A_551 = vector.multi_reduction <minsi>, %select_n3A_549, %reduce_min3A_550 [1] : vector<256x32xi32> to vector<256xi32>
    %broadcast_in_dim3A_552 = vector.shape_cast %reduce_min3A_551 : vector<256xi32> to vector<256x1xi32>
    %concatenate3A_553 = tpu.concatenate %broadcast_in_dim3A_304, %broadcast_in_dim3A_320, %broadcast_in_dim3A_336, %broadcast_in_dim3A_352, %broadcast_in_dim3A_368, %broadcast_in_dim3A_384, %broadcast_in_dim3A_400, %broadcast_in_dim3A_416, %broadcast_in_dim3A_432, %broadcast_in_dim3A_448, %broadcast_in_dim3A_464, %broadcast_in_dim3A_480, %broadcast_in_dim3A_496, %broadcast_in_dim3A_512, %broadcast_in_dim3A_528, %broadcast_in_dim3A_544 in 1 : vector<256x1xf32>, vector<256x1xf32>, vector<256x1xf32>, vector<256x1xf32>, vector<256x1xf32>, vector<256x1xf32>, vector<256x1xf32>, vector<256x1xf32>, vector<256x1xf32>, vector<256x1xf32>, vector<256x1xf32>, vector<256x1xf32>, vector<256x1xf32>, vector<256x1xf32>, vector<256x1xf32>, vector<256x1xf32> -> vector<256x16xf32>
    %concatenate3A_554 = tpu.concatenate %broadcast_in_dim3A_312, %broadcast_in_dim3A_328, %broadcast_in_dim3A_344, %broadcast_in_dim3A_360, %broadcast_in_dim3A_376, %broadcast_in_dim3A_392, %broadcast_in_dim3A_408, %broadcast_in_dim3A_424, %broadcast_in_dim3A_440, %broadcast_in_dim3A_456, %broadcast_in_dim3A_472, %broadcast_in_dim3A_488, %broadcast_in_dim3A_504, %broadcast_in_dim3A_520, %broadcast_in_dim3A_536, %broadcast_in_dim3A_552 in 1 : vector<256x1xi32>, vector<256x1xi32>, vector<256x1xi32>, vector<256x1xi32>, vector<256x1xi32>, vector<256x1xi32>, vector<256x1xi32>, vector<256x1xi32>, vector<256x1xi32>, vector<256x1xi32>, vector<256x1xi32>, vector<256x1xi32>, vector<256x1xi32>, vector<256x1xi32>, vector<256x1xi32>, vector<256x1xi32> -> vector<256x16xi32>
    %swap3A = arith.constant 0 : index
    %swap3A_555 = arith.constant 0 : index
    %swap3A_556 = vector.load %arg5[%swap3A, %swap3A_555] : memref<256x16xf32, #tpu.memory_space<vmem>>, vector<256x16xf32>
    tpu.vector_store %arg5[%swap3A, %swap3A_555], %concatenate3A_553 {strides = array<i32>} : memref<256x16xf32, #tpu.memory_space<vmem>>, vector<256x16xf32>,
    %swap3A_557 = arith.constant 0 : index
    %swap3A_558 = arith.constant 0 : index
    %swap3A_559 = vector.load %arg6[%swap3A_557, %swap3A_558] : memref<256x16xi32, #tpu.memory_space<vmem>>, vector<256x16xi32>
    tpu.vector_store %arg6[%swap3A_557, %swap3A_558], %concatenate3A_554 {strides = array<i32>} : memref<256x16xi32, #tpu.memory_space<vmem>>, vector<256x16xi32>,
    %eq3A_560 = arith.constant 24 : i32
    %eq3A_561 = arith.cmpi eq, %arg1, %eq3A_560 : i32
    %convert_element_type3A_562 = arith.extui %eq3A_561 : i1 to i32
    %cond3A_563 = arith.constant 0 : i32
    %cond3A_564 = arith.cmpi ne, %convert_element_type3A_562, %cond3A_563 : i32
    scf.if %cond3A_564 {
      %get3A_565 = arith.constant 0 : index
      %get3A_566 = arith.constant 0 : index
      %get3A_567 = vector.load %arg6[%get3A_565, %get3A_566] : memref<256x16xi32, #tpu.memory_space<vmem>>, vector<256x16xi32>
      %swap3A_568 = arith.constant 0 : index
      %swap3A_569 = arith.constant 0 : index
      %swap3A_570 = vector.load %arg4[%swap3A_568, %swap3A_569] : memref<256x16xi32, #tpu.memory_space<vmem>>, vector<256x16xi32>
      tpu.vector_store %arg4[%swap3A_568, %swap3A_569], %get3A_567 {strides = array<i32>} : memref<256x16xi32, #tpu.memory_space<vmem>>, vector<256x16xi32>,
    } else {
    }
    return
  }
  func.func @transform_0(%arg0: i32, %arg1: i32) -> (i32, i32) {
    %c0_i32 = arith.constant 0 : i32
    %c0_i32_0 = arith.constant 0 : i32
    return %arg0, %c0_i32 : i32, i32
  }
  func.func @transform_1(%arg0: i32, %arg1: i32) -> (i32, i32) {
    %c0_i32 = arith.constant 0 : i32
    %c0_i32_0 = arith.constant 0 : i32
    return %c0_i32, %arg1 : i32, i32
  }
  func.func @transform_2(%arg0: i32, %arg1: i32) -> (i32, i32) {
    %c0_i32 = arith.constant 0 : i32
    %c0_i32_0 = arith.constant 0 : i32
    return %arg0, %c0_i32 : i32, i32
  }
}

module attributes {stable_mosaic.version = 14 : i64} {
  func.func @_prep_body(%arg0: i32, %arg1: memref<512x128xf32, #tpu.memory_space<vmem>>, %arg2: memref<512x3xf32, #tpu.memory_space<vmem>>, %arg3: memref<3x128xf32, #tpu.memory_space<vmem>>, %arg4: memref<512x128xf32, #tpu.memory_space<vmem>>) attributes {dimension_semantics = [#tpu.dimension_semantics<arbitrary>], iteration_bounds = array<i64: 98>, scalar_prefetch = 0 : i64, scratch_operands = 0 : i64, tpu.core_type = #tpu.core_type<tc>, window_params = [{transform_indices = @transform_0, window_bounds = array<i64: 512, 128>}, {transform_indices = @transform_1, window_bounds = array<i64: 512, 3>}, {pipeline_mode = #tpu.pipeline_mode<synchronous>, transform_indices = @transform_2, window_bounds = array<i64: 3, 128>}, {transform_indices = @transform_3, window_bounds = array<i64: 512, 128>}]} {
    %get3A = arith.constant 0 : index
    %get3A_0 = arith.constant 0 : index
    %get3A_1 = vector.load %arg2[%get3A, %get3A_0] : memref<512x3xf32, #tpu.memory_space<vmem>>, vector<512x1xf32>
    %get3A_2 = arith.constant 0 : index
    %get3A_3 = arith.constant 1 : index
    %get3A_4 = vector.load %arg2[%get3A_2, %get3A_3] : memref<512x3xf32, #tpu.memory_space<vmem>>, vector<512x1xf32>
    %get3A_5 = arith.constant 0 : index
    %get3A_6 = arith.constant 2 : index
    %get3A_7 = vector.load %arg2[%get3A_5, %get3A_6] : memref<512x3xf32, #tpu.memory_space<vmem>>, vector<512x1xf32>
    %get3A_8 = arith.constant 0 : index
    %get3A_9 = arith.constant 0 : index
    %get3A_10 = vector.load %arg3[%get3A_8, %get3A_9] : memref<3x128xf32, #tpu.memory_space<vmem>>, vector<1x128xf32>
    %mul3A = vector.broadcast %get3A_1 : vector<512x1xf32> to vector<512x128xf32>
    %mul3A_11 = vector.broadcast %get3A_10 : vector<1x128xf32> to vector<512x128xf32>
    %mul3A_12 = arith.mulf %mul3A, %mul3A_11 : vector<512x128xf32>
    %get3A_13 = arith.constant 1 : index
    %get3A_14 = arith.constant 0 : index
    %get3A_15 = vector.load %arg3[%get3A_13, %get3A_14] : memref<3x128xf32, #tpu.memory_space<vmem>>, vector<1x128xf32>
    %mul3A_16 = vector.broadcast %get3A_4 : vector<512x1xf32> to vector<512x128xf32>
    %mul3A_17 = vector.broadcast %get3A_15 : vector<1x128xf32> to vector<512x128xf32>
    %mul3A_18 = arith.mulf %mul3A_16, %mul3A_17 : vector<512x128xf32>
    %add3A = arith.addf %mul3A_12, %mul3A_18 : vector<512x128xf32>
    %get3A_19 = arith.constant 2 : index
    %get3A_20 = arith.constant 0 : index
    %get3A_21 = vector.load %arg3[%get3A_19, %get3A_20] : memref<3x128xf32, #tpu.memory_space<vmem>>, vector<1x128xf32>
    %mul3A_22 = vector.broadcast %get3A_7 : vector<512x1xf32> to vector<512x128xf32>
    %mul3A_23 = vector.broadcast %get3A_21 : vector<1x128xf32> to vector<512x128xf32>
    %mul3A_24 = arith.mulf %mul3A_22, %mul3A_23 : vector<512x128xf32>
    %add3A_25 = arith.addf %add3A, %mul3A_24 : vector<512x128xf32>
    %get3A_26 = arith.constant 0 : index
    %get3A_27 = arith.constant 0 : index
    %get3A_28 = vector.load %arg1[%get3A_26, %get3A_27] : memref<512x128xf32, #tpu.memory_space<vmem>>, vector<512x128xf32>
    %sub3A = arith.subf %get3A_28, %add3A_25 : vector<512x128xf32>
    %swap3A = arith.constant 0 : index
    %swap3A_29 = arith.constant 0 : index
    %swap3A_30 = vector.load %arg4[%swap3A, %swap3A_29] : memref<512x128xf32, #tpu.memory_space<vmem>>, vector<512x128xf32>
    tpu.vector_store %arg4[%swap3A, %swap3A_29], %sub3A {strides = array<i32>} : memref<512x128xf32, #tpu.memory_space<vmem>>, vector<512x128xf32>,
    return
  }
  func.func @transform_0(%arg0: i32) -> (i32, i32) {
    %c0_i32 = arith.constant 0 : i32
    %c0_i32_0 = arith.constant 0 : i32
    return %arg0, %c0_i32 : i32, i32
  }
  func.func @transform_1(%arg0: i32) -> (i32, i32) {
    %c0_i32 = arith.constant 0 : i32
    %c0_i32_0 = arith.constant 0 : i32
    return %arg0, %c0_i32 : i32, i32
  }
  func.func @transform_2(%arg0: i32) -> (i32, i32) {
    %c0_i32 = arith.constant 0 : i32
    %c0_i32_0 = arith.constant 0 : i32
    %c0_i32_1 = arith.constant 0 : i32
    return %c0_i32, %c0_i32_0 : i32, i32
  }
  func.func @transform_3(%arg0: i32) -> (i32, i32) {
    %c0_i32 = arith.constant 0 : i32
    %c0_i32_0 = arith.constant 0 : i32
    return %arg0, %c0_i32 : i32, i32
  }
}

module attributes {stable_mosaic.version = 14 : i64} {
  func.func @_dense_body(%arg0: i32, %arg1: memref<256x3xf32, #tpu.memory_space<vmem>>, %arg2: memref<4096x128xf32, #tpu.memory_space<vmem>>, %arg3: memref<3x128xf32, #tpu.memory_space<vmem>>, %arg4: memref<1x128xf32, #tpu.memory_space<vmem>>, %arg5: memref<128x128xf32, #tpu.memory_space<vmem>>, %arg6: memref<1x128xf32, #tpu.memory_space<vmem>>, %arg7: memref<3x128xf32, #tpu.memory_space<vmem>>, %arg8: memref<1x128xf32, #tpu.memory_space<vmem>>, %arg9: memref<128x128xf32, #tpu.memory_space<vmem>>, %arg10: memref<1x128xf32, #tpu.memory_space<vmem>>, %arg11: memref<128x128xf32, #tpu.memory_space<vmem>>, %arg12: memref<1x128xf32, #tpu.memory_space<vmem>>, %arg13: memref<128x128xf32, #tpu.memory_space<vmem>>, %arg14: memref<1x128xf32, #tpu.memory_space<vmem>>, %arg15: memref<128x128xf32, #tpu.memory_space<vmem>>, %arg16: memref<1x128xf32, #tpu.memory_space<vmem>>, %arg17: memref<1x128xf32, #tpu.memory_space<vmem>>, %arg18: memref<1x128xf32, #tpu.memory_space<vmem>>, %arg19: memref<128x128xf32, #tpu.memory_space<vmem>>, %arg20: memref<1x128xf32, #tpu.memory_space<vmem>>, %arg21: memref<128x64xf32, #tpu.memory_space<vmem>>, %arg22: memref<1x64xf32, #tpu.memory_space<vmem>>, %arg23: memref<64x1xf32, #tpu.memory_space<vmem>>, %arg24: memref<1x1xf32, #tpu.memory_space<vmem>>, %arg25: memref<256x1xf32, #tpu.memory_space<vmem>>) attributes {dimension_semantics = [#tpu.dimension_semantics<arbitrary>], iteration_bounds = array<i64: 16>, scalar_prefetch = 0 : i64, scratch_operands = 0 : i64, tpu.core_type = #tpu.core_type<tc>, window_params = [{transform_indices = @transform_0, window_bounds = array<i64: 256, 3>}, {transform_indices = @transform_1, window_bounds = array<i64: 4096, 128>}, {pipeline_mode = #tpu.pipeline_mode<synchronous>, transform_indices = @transform_2, window_bounds = array<i64: 3, 128>}, {pipeline_mode = #tpu.pipeline_mode<synchronous>, transform_indices = @transform_3, window_bounds = array<i64: 1, 128>}, {pipeline_mode = #tpu.pipeline_mode<synchronous>, transform_indices = @transform_4, window_bounds = array<i64: 128, 128>}, {pipeline_mode = #tpu.pipeline_mode<synchronous>, transform_indices = @transform_5, window_bounds = array<i64: 1, 128>}, {pipeline_mode = #tpu.pipeline_mode<synchronous>, transform_indices = @transform_6, window_bounds = array<i64: 3, 128>}, {pipeline_mode = #tpu.pipeline_mode<synchronous>, transform_indices = @transform_7, window_bounds = array<i64: 1, 128>}, {pipeline_mode = #tpu.pipeline_mode<synchronous>, transform_indices = @transform_8, window_bounds = array<i64: 128, 128>}, {pipeline_mode = #tpu.pipeline_mode<synchronous>, transform_indices = @transform_9, window_bounds = array<i64: 1, 128>}, {pipeline_mode = #tpu.pipeline_mode<synchronous>, transform_indices = @transform_10, window_bounds = array<i64: 128, 128>}, {pipeline_mode = #tpu.pipeline_mode<synchronous>, transform_indices = @transform_11, window_bounds = array<i64: 1, 128>}, {pipeline_mode = #tpu.pipeline_mode<synchronous>, transform_indices = @transform_12, window_bounds = array<i64: 128, 128>}, {pipeline_mode = #tpu.pipeline_mode<synchronous>, transform_indices = @transform_13, window_bounds = array<i64: 1, 128>}, {pipeline_mode = #tpu.pipeline_mode<synchronous>, transform_indices = @transform_14, window_bounds = array<i64: 128, 128>}, {pipeline_mode = #tpu.pipeline_mode<synchronous>, transform_indices = @transform_15, window_bounds = array<i64: 1, 128>}, {pipeline_mode = #tpu.pipeline_mode<synchronous>, transform_indices = @transform_16, window_bounds = array<i64: 1, 128>}, {pipeline_mode = #tpu.pipeline_mode<synchronous>, transform_indices = @transform_17, window_bounds = array<i64: 1, 128>}, {pipeline_mode = #tpu.pipeline_mode<synchronous>, transform_indices = @transform_18, window_bounds = array<i64: 128, 128>}, {pipeline_mode = #tpu.pipeline_mode<synchronous>, transform_indices = @transform_19, window_bounds = array<i64: 1, 128>}, {pipeline_mode = #tpu.pipeline_mode<synchronous>, transform_indices = @transform_20, window_bounds = array<i64: 128, 64>}, {pipeline_mode = #tpu.pipeline_mode<synchronous>, transform_indices = @transform_21, window_bounds = array<i64: 1, 64>}, {pipeline_mode = #tpu.pipeline_mode<synchronous>, transform_indices = @transform_22, window_bounds = array<i64: 64, 1>}, {pipeline_mode = #tpu.pipeline_mode<synchronous>, transform_indices = @transform_23, window_bounds = array<i64: 1, 1>}, {transform_indices = @transform_24, window_bounds = array<i64: 256, 1>}]} {
    %get3A = arith.constant 0 : index
    %get3A_0 = arith.constant 0 : index
    %get3A_1 = vector.load %arg1[%get3A, %get3A_0] : memref<256x3xf32, #tpu.memory_space<vmem>>, vector<256x1xf32>
    %get3A_2 = arith.constant 0 : index
    %get3A_3 = arith.constant 1 : index
    %get3A_4 = vector.load %arg1[%get3A_2, %get3A_3] : memref<256x3xf32, #tpu.memory_space<vmem>>, vector<256x1xf32>
    %get3A_5 = arith.constant 0 : index
    %get3A_6 = arith.constant 2 : index
    %get3A_7 = vector.load %arg1[%get3A_5, %get3A_6] : memref<256x3xf32, #tpu.memory_space<vmem>>, vector<256x1xf32>
    %get3A_8 = arith.constant 0 : index
    %get3A_9 = arith.constant 0 : index
    %get3A_10 = vector.load %arg3[%get3A_8, %get3A_9] : memref<3x128xf32, #tpu.memory_space<vmem>>, vector<1x128xf32>
    %mul3A = vector.broadcast %get3A_1 : vector<256x1xf32> to vector<256x128xf32>
    %mul3A_11 = vector.broadcast %get3A_10 : vector<1x128xf32> to vector<256x128xf32>
    %mul3A_12 = arith.mulf %mul3A, %mul3A_11 : vector<256x128xf32>
    %get3A_13 = arith.constant 1 : index
    %get3A_14 = arith.constant 0 : index
    %get3A_15 = vector.load %arg3[%get3A_13, %get3A_14] : memref<3x128xf32, #tpu.memory_space<vmem>>, vector<1x128xf32>
    %mul3A_16 = vector.broadcast %get3A_4 : vector<256x1xf32> to vector<256x128xf32>
    %mul3A_17 = vector.broadcast %get3A_15 : vector<1x128xf32> to vector<256x128xf32>
    %mul3A_18 = arith.mulf %mul3A_16, %mul3A_17 : vector<256x128xf32>
    %add3A = arith.addf %mul3A_12, %mul3A_18 : vector<256x128xf32>
    %get3A_19 = arith.constant 2 : index
    %get3A_20 = arith.constant 0 : index
    %get3A_21 = vector.load %arg3[%get3A_19, %get3A_20] : memref<3x128xf32, #tpu.memory_space<vmem>>, vector<1x128xf32>
    %mul3A_22 = vector.broadcast %get3A_7 : vector<256x1xf32> to vector<256x128xf32>
    %mul3A_23 = vector.broadcast %get3A_21 : vector<1x128xf32> to vector<256x128xf32>
    %mul3A_24 = arith.mulf %mul3A_22, %mul3A_23 : vector<256x128xf32>
    %add3A_25 = arith.addf %add3A, %mul3A_24 : vector<256x128xf32>
    %get3A_26 = arith.constant 0 : index
    %get3A_27 = arith.constant 0 : index
    %get3A_28 = vector.load %arg4[%get3A_26, %get3A_27] : memref<1x128xf32, #tpu.memory_space<vmem>>, vector<1x128xf32>
    %add3A_29 = vector.broadcast %get3A_28 : vector<1x128xf32> to vector<256x128xf32>
    %add3A_30 = arith.addf %add3A_25, %add3A_29 : vector<256x128xf32>
    %integer_pow3A = arith.mulf %add3A_30, %add3A_30 : vector<256x128xf32>
    %integer_pow3A_31 = arith.mulf %add3A_30, %integer_pow3A : vector<256x128xf32>
    %mul3A_32 = arith.constant 4.471500e-02 : f32
    %mul3A_33 = vector.broadcast %mul3A_32 : f32 to vector<256x128xf32>
    %mul3A_34 = arith.mulf %mul3A_33, %integer_pow3A_31 : vector<256x128xf32>
    %add3A_35 = arith.addf %add3A_30, %mul3A_34 : vector<256x128xf32>
    %mul3A_36 = arith.constant 0.797884583 : f32
    %mul3A_37 = vector.broadcast %mul3A_36 : f32 to vector<256x128xf32>
    %mul3A_38 = arith.mulf %mul3A_37, %add3A_35 : vector<256x128xf32>
    %tanh3A = math.tanh %mul3A_38 : vector<256x128xf32>
    %add3A_39 = arith.constant 1.000000e+00 : f32
    %add3A_40 = vector.broadcast %add3A_39 : f32 to vector<256x128xf32>
    %add3A_41 = arith.addf %add3A_40, %tanh3A : vector<256x128xf32>
    %mul3A_42 = arith.constant 5.000000e-01 : f32
    %mul3A_43 = vector.broadcast %mul3A_42 : f32 to vector<256x128xf32>
    %mul3A_44 = arith.mulf %mul3A_43, %add3A_41 : vector<256x128xf32>
    %mul3A_45 = arith.mulf %add3A_30, %mul3A_44 : vector<256x128xf32>
    %get3A_46 = arith.constant 0 : index
    %get3A_47 = arith.constant 0 : index
    %get3A_48 = vector.load %arg5[%get3A_46, %get3A_47] : memref<128x128xf32, #tpu.memory_space<vmem>>, vector<128x128xf32>
    %dot_general3A = arith.constant dense<0.000000e+00> : vector<256x128xf32>
    %dot_general3A_49 = tpu.matmul %mul3A_45, %get3A_48, %dot_general3A {dimension_numbers = #tpu.dot_dimension_numbers<[1], [0], [0], [1], [0, 0, 1, 1], [], []>, transpose_lhs_hint = false} : vector<256x128xf32>, vector<128x128xf32>, vector<256x128xf32> -> vector<256x128xf32>
    %get3A_50 = arith.constant 0 : index
    %get3A_51 = arith.constant 0 : index
    %get3A_52 = vector.load %arg6[%get3A_50, %get3A_51] : memref<1x128xf32, #tpu.memory_space<vmem>>, vector<1x128xf32>
    %add3A_53 = vector.broadcast %get3A_52 : vector<1x128xf32> to vector<256x128xf32>
    %add3A_54 = arith.addf %dot_general3A_49, %add3A_53 : vector<256x128xf32>
    %get3A_55 = arith.constant 0 : index
    %get3A_56 = arith.constant 0 : index
    %get3A_57 = vector.load %arg7[%get3A_55, %get3A_56] : memref<3x128xf32, #tpu.memory_space<vmem>>, vector<1x128xf32>
    %mul3A_58 = vector.broadcast %get3A_1 : vector<256x1xf32> to vector<256x128xf32>
    %mul3A_59 = vector.broadcast %get3A_57 : vector<1x128xf32> to vector<256x128xf32>
    %mul3A_60 = arith.mulf %mul3A_58, %mul3A_59 : vector<256x128xf32>
    %get3A_61 = arith.constant 1 : index
    %get3A_62 = arith.constant 0 : index
    %get3A_63 = vector.load %arg7[%get3A_61, %get3A_62] : memref<3x128xf32, #tpu.memory_space<vmem>>, vector<1x128xf32>
    %mul3A_64 = vector.broadcast %get3A_4 : vector<256x1xf32> to vector<256x128xf32>
    %mul3A_65 = vector.broadcast %get3A_63 : vector<1x128xf32> to vector<256x128xf32>
    %mul3A_66 = arith.mulf %mul3A_64, %mul3A_65 : vector<256x128xf32>
    %add3A_67 = arith.addf %mul3A_60, %mul3A_66 : vector<256x128xf32>
    %get3A_68 = arith.constant 2 : index
    %get3A_69 = arith.constant 0 : index
    %get3A_70 = vector.load %arg7[%get3A_68, %get3A_69] : memref<3x128xf32, #tpu.memory_space<vmem>>, vector<1x128xf32>
    %mul3A_71 = vector.broadcast %get3A_7 : vector<256x1xf32> to vector<256x128xf32>
    %mul3A_72 = vector.broadcast %get3A_70 : vector<1x128xf32> to vector<256x128xf32>
    %mul3A_73 = arith.mulf %mul3A_71, %mul3A_72 : vector<256x128xf32>
    %add3A_74 = arith.addf %add3A_67, %mul3A_73 : vector<256x128xf32>
    %get3A_75 = arith.constant 0 : index
    %get3A_76 = arith.constant 0 : index
    %get3A_77 = vector.load %arg8[%get3A_75, %get3A_76] : memref<1x128xf32, #tpu.memory_space<vmem>>, vector<1x128xf32>
    %add3A_78 = vector.broadcast %get3A_77 : vector<1x128xf32> to vector<256x128xf32>
    %add3A_79 = arith.addf %add3A_74, %add3A_78 : vector<256x128xf32>
    %broadcast_in_dim3A = vector.shape_cast %add3A_79 : vector<256x128xf32> to vector<256x1x128xf32>
    %broadcast_in_dim3A_80 = vector.shape_cast %broadcast_in_dim3A : vector<256x1x128xf32> to vector<256x1x128xf32>
    %broadcast_in_dim3A_81 = vector.broadcast %broadcast_in_dim3A_80 : vector<256x1x128xf32> to vector<256x16x128xf32>
    %reshape3A = vector.shape_cast %broadcast_in_dim3A_81 : vector<256x16x128xf32> to vector<4096x128xf32>
    %get3A_82 = arith.constant 0 : index
    %get3A_83 = arith.constant 0 : index
    %get3A_84 = vector.load %arg2[%get3A_82, %get3A_83] : memref<4096x128xf32, #tpu.memory_space<vmem>>, vector<4096x128xf32>
    %add3A_85 = arith.addf %get3A_84, %reshape3A : vector<4096x128xf32>
    %get3A_86 = arith.constant 0 : index
    %get3A_87 = arith.constant 0 : index
    %get3A_88 = vector.load %arg11[%get3A_86, %get3A_87] : memref<128x128xf32, #tpu.memory_space<vmem>>, vector<128x128xf32>
    %dot_general3A_89 = arith.constant dense<0.000000e+00> : vector<4096x128xf32>
    %dot_general3A_90 = tpu.matmul %add3A_85, %get3A_88, %dot_general3A_89 {dimension_numbers = #tpu.dot_dimension_numbers<[1], [0], [0], [1], [0, 0, 1, 1], [], []>, transpose_lhs_hint = false} : vector<4096x128xf32>, vector<128x128xf32>, vector<4096x128xf32> -> vector<4096x128xf32>
    %get3A_91 = arith.constant 0 : index
    %get3A_92 = arith.constant 0 : index
    %get3A_93 = vector.load %arg12[%get3A_91, %get3A_92] : memref<1x128xf32, #tpu.memory_space<vmem>>, vector<1x128xf32>
    %add3A_94 = vector.broadcast %get3A_93 : vector<1x128xf32> to vector<4096x128xf32>
    %add3A_95 = arith.addf %dot_general3A_90, %add3A_94 : vector<4096x128xf32>
    %get3A_96 = arith.constant 0 : index
    %get3A_97 = arith.constant 0 : index
    %get3A_98 = vector.load %arg13[%get3A_96, %get3A_97] : memref<128x128xf32, #tpu.memory_space<vmem>>, vector<128x128xf32>
    %dot_general3A_99 = arith.constant dense<0.000000e+00> : vector<4096x128xf32>
    %dot_general3A_100 = tpu.matmul %add3A_85, %get3A_98, %dot_general3A_99 {dimension_numbers = #tpu.dot_dimension_numbers<[1], [0], [0], [1], [0, 0, 1, 1], [], []>, transpose_lhs_hint = false} : vector<4096x128xf32>, vector<128x128xf32>, vector<4096x128xf32> -> vector<4096x128xf32>
    %get3A_101 = arith.constant 0 : index
    %get3A_102 = arith.constant 0 : index
    %get3A_103 = vector.load %arg14[%get3A_101, %get3A_102] : memref<1x128xf32, #tpu.memory_space<vmem>>, vector<1x128xf32>
    %add3A_104 = vector.broadcast %get3A_103 : vector<1x128xf32> to vector<4096x128xf32>
    %add3A_105 = arith.addf %dot_general3A_100, %add3A_104 : vector<4096x128xf32>
    %get3A_106 = arith.constant 0 : index
    %get3A_107 = arith.constant 0 : index
    %get3A_108 = vector.load %arg9[%get3A_106, %get3A_107] : memref<128x128xf32, #tpu.memory_space<vmem>>, vector<128x128xf32>
    %dot_general3A_109 = arith.constant dense<0.000000e+00> : vector<256x128xf32>
    %dot_general3A_110 = tpu.matmul %add3A_54, %get3A_108, %dot_general3A_109 {dimension_numbers = #tpu.dot_dimension_numbers<[1], [0], [0], [1], [0, 0, 1, 1], [], []>, transpose_lhs_hint = false} : vector<256x128xf32>, vector<128x128xf32>, vector<256x128xf32> -> vector<256x128xf32>
    %get3A_111 = arith.constant 0 : index
    %get3A_112 = arith.constant 0 : index
    %get3A_113 = vector.load %arg10[%get3A_111, %get3A_112] : memref<1x128xf32, #tpu.memory_space<vmem>>, vector<1x128xf32>
    %add3A_114 = vector.broadcast %get3A_113 : vector<1x128xf32> to vector<256x128xf32>
    %add3A_115 = arith.addf %dot_general3A_110, %add3A_114 : vector<256x128xf32>
    %broadcast_in_dim3A_116 = vector.shape_cast %add3A_115 : vector<256x128xf32> to vector<256x1x128xf32>
    %broadcast_in_dim3A_117 = vector.shape_cast %broadcast_in_dim3A_116 : vector<256x1x128xf32> to vector<256x1x128xf32>
    %broadcast_in_dim3A_118 = vector.broadcast %broadcast_in_dim3A_117 : vector<256x1x128xf32> to vector<256x16x128xf32>
    %reshape3A_119 = vector.shape_cast %broadcast_in_dim3A_118 : vector<256x16x128xf32> to vector<4096x128xf32>
    %mul3A_120 = arith.mulf %reshape3A_119, %add3A_95 : vector<4096x128xf32>
    %slice3A = vector.extract_strided_slice %mul3A_120 {offsets = [0, 0], sizes = [4096, 32], strides = [1, 1]} : vector<4096x128xf32> to vector<4096x32xf32>
    %reduce_sum3A = arith.constant dense<0.000000e+00> : vector<4096xf32>
    %reduce_sum3A_121 = vector.multi_reduction <add>, %slice3A, %reduce_sum3A [1] : vector<4096x32xf32> to vector<4096xf32>
    %broadcast_in_dim3A_122 = vector.shape_cast %reduce_sum3A_121 : vector<4096xf32> to vector<4096x1xf32>
    %slice3A_123 = vector.extract_strided_slice %mul3A_120 {offsets = [0, 32], sizes = [4096, 32], strides = [1, 1]} : vector<4096x128xf32> to vector<4096x32xf32>
    %reduce_sum3A_124 = arith.constant dense<0.000000e+00> : vector<4096xf32>
    %reduce_sum3A_125 = vector.multi_reduction <add>, %slice3A_123, %reduce_sum3A_124 [1] : vector<4096x32xf32> to vector<4096xf32>
    %broadcast_in_dim3A_126 = vector.shape_cast %reduce_sum3A_125 : vector<4096xf32> to vector<4096x1xf32>
    %slice3A_127 = vector.extract_strided_slice %mul3A_120 {offsets = [0, 64], sizes = [4096, 32], strides = [1, 1]} : vector<4096x128xf32> to vector<4096x32xf32>
    %reduce_sum3A_128 = arith.constant dense<0.000000e+00> : vector<4096xf32>
    %reduce_sum3A_129 = vector.multi_reduction <add>, %slice3A_127, %reduce_sum3A_128 [1] : vector<4096x32xf32> to vector<4096xf32>
    %broadcast_in_dim3A_130 = vector.shape_cast %reduce_sum3A_129 : vector<4096xf32> to vector<4096x1xf32>
    %slice3A_131 = vector.extract_strided_slice %mul3A_120 {offsets = [0, 96], sizes = [4096, 32], strides = [1, 1]} : vector<4096x128xf32> to vector<4096x32xf32>
    %reduce_sum3A_132 = arith.constant dense<0.000000e+00> : vector<4096xf32>
    %reduce_sum3A_133 = vector.multi_reduction <add>, %slice3A_131, %reduce_sum3A_132 [1] : vector<4096x32xf32> to vector<4096xf32>
    %broadcast_in_dim3A_134 = vector.shape_cast %reduce_sum3A_133 : vector<4096xf32> to vector<4096x1xf32>
    %concatenate3A = tpu.concatenate %broadcast_in_dim3A_122, %broadcast_in_dim3A_126, %broadcast_in_dim3A_130, %broadcast_in_dim3A_134 in 1 : vector<4096x1xf32>, vector<4096x1xf32>, vector<4096x1xf32>, vector<4096x1xf32> -> vector<4096x4xf32>
    %mul3A_135 = arith.constant 0.176776692 : f32
    %mul3A_136 = vector.broadcast %mul3A_135 : f32 to vector<4096x4xf32>
    %mul3A_137 = arith.mulf %concatenate3A, %mul3A_136 : vector<4096x4xf32>
    %reshape3A_138 = vector.shape_cast %mul3A_137 : vector<4096x4xf32> to vector<256x16x4xf32>
    %reduce_max3A = arith.constant dense<0xFF800000> : vector<256x4xf32>
    %reduce_max3A_139 = vector.multi_reduction <maximumf>, %reshape3A_138, %reduce_max3A [1] : vector<256x16x4xf32> to vector<256x4xf32>
    %broadcast_in_dim3A_140 = vector.shape_cast %reduce_max3A_139 : vector<256x4xf32> to vector<256x1x4xf32>
    %sub3A = vector.broadcast %broadcast_in_dim3A_140 : vector<256x1x4xf32> to vector<256x16x4xf32>
    %sub3A_141 = arith.subf %reshape3A_138, %sub3A : vector<256x16x4xf32>
    %exp3A = math.exp %sub3A_141 : vector<256x16x4xf32>
    %reduce_sum3A_142 = arith.constant dense<0.000000e+00> : vector<256x4xf32>
    %reduce_sum3A_143 = vector.multi_reduction <add>, %exp3A, %reduce_sum3A_142 [1] : vector<256x16x4xf32> to vector<256x4xf32>
    %broadcast_in_dim3A_144 = vector.shape_cast %reduce_sum3A_143 : vector<256x4xf32> to vector<256x1x4xf32>
    %div3A = vector.broadcast %broadcast_in_dim3A_144 : vector<256x1x4xf32> to vector<256x16x4xf32>
    %div3A_145 = arith.divf %exp3A, %div3A : vector<256x16x4xf32>
    %slice3A_146 = vector.extract_strided_slice %div3A_145 {offsets = [0, 0, 0], sizes = [256, 16, 1], strides = [1, 1, 1]} : vector<256x16x4xf32> to vector<256x16x1xf32>
    %broadcast_in_dim3A_147 = vector.shape_cast %slice3A_146 : vector<256x16x1xf32> to vector<256x16x1xf32>
    %broadcast_in_dim3A_148 = vector.broadcast %broadcast_in_dim3A_147 : vector<256x16x1xf32> to vector<256x16x32xf32>
    %slice3A_149 = vector.extract_strided_slice %div3A_145 {offsets = [0, 0, 1], sizes = [256, 16, 1], strides = [1, 1, 1]} : vector<256x16x4xf32> to vector<256x16x1xf32>
    %broadcast_in_dim3A_150 = vector.shape_cast %slice3A_149 : vector<256x16x1xf32> to vector<256x16x1xf32>
    %broadcast_in_dim3A_151 = vector.broadcast %broadcast_in_dim3A_150 : vector<256x16x1xf32> to vector<256x16x32xf32>
    %slice3A_152 = vector.extract_strided_slice %div3A_145 {offsets = [0, 0, 2], sizes = [256, 16, 1], strides = [1, 1, 1]} : vector<256x16x4xf32> to vector<256x16x1xf32>
    %broadcast_in_dim3A_153 = vector.shape_cast %slice3A_152 : vector<256x16x1xf32> to vector<256x16x1xf32>
    %broadcast_in_dim3A_154 = vector.broadcast %broadcast_in_dim3A_153 : vector<256x16x1xf32> to vector<256x16x32xf32>
    %slice3A_155 = vector.extract_strided_slice %div3A_145 {offsets = [0, 0, 3], sizes = [256, 16, 1], strides = [1, 1, 1]} : vector<256x16x4xf32> to vector<256x16x1xf32>
    %broadcast_in_dim3A_156 = vector.shape_cast %slice3A_155 : vector<256x16x1xf32> to vector<256x16x1xf32>
    %broadcast_in_dim3A_157 = vector.broadcast %broadcast_in_dim3A_156 : vector<256x16x1xf32> to vector<256x16x32xf32>
    %concatenate3A_158 = tpu.concatenate %broadcast_in_dim3A_148, %broadcast_in_dim3A_151, %broadcast_in_dim3A_154, %broadcast_in_dim3A_157 in 2 : vector<256x16x32xf32>, vector<256x16x32xf32>, vector<256x16x32xf32>, vector<256x16x32xf32> -> vector<256x16x128xf32>
    %reshape3A_159 = vector.shape_cast %add3A_105 : vector<4096x128xf32> to vector<256x16x128xf32>
    %mul3A_160 = arith.mulf %concatenate3A_158, %reshape3A_159 : vector<256x16x128xf32>
    %reduce_sum3A_161 = arith.constant dense<0.000000e+00> : vector<256x128xf32>
    %reduce_sum3A_162 = vector.multi_reduction <add>, %mul3A_160, %reduce_sum3A_161 [1] : vector<256x16x128xf32> to vector<256x128xf32>
    %get3A_163 = arith.constant 0 : index
    %get3A_164 = arith.constant 0 : index
    %get3A_165 = vector.load %arg15[%get3A_163, %get3A_164] : memref<128x128xf32, #tpu.memory_space<vmem>>, vector<128x128xf32>
    %dot_general3A_166 = arith.constant dense<0.000000e+00> : vector<256x128xf32>
    %dot_general3A_167 = tpu.matmul %reduce_sum3A_162, %get3A_165, %dot_general3A_166 {dimension_numbers = #tpu.dot_dimension_numbers<[1], [0], [0], [1], [0, 0, 1, 1], [], []>, transpose_lhs_hint = false} : vector<256x128xf32>, vector<128x128xf32>, vector<256x128xf32> -> vector<256x128xf32>
    %get3A_168 = arith.constant 0 : index
    %get3A_169 = arith.constant 0 : index
    %get3A_170 = vector.load %arg16[%get3A_168, %get3A_169] : memref<1x128xf32, #tpu.memory_space<vmem>>, vector<1x128xf32>
    %add3A_171 = vector.broadcast %get3A_170 : vector<1x128xf32> to vector<256x128xf32>
    %add3A_172 = arith.addf %dot_general3A_167, %add3A_171 : vector<256x128xf32>
    %add3A_173 = arith.addf %add3A_172, %add3A_54 : vector<256x128xf32>
    %reduce_sum3A_174 = arith.constant dense<0.000000e+00> : vector<256xf32>
    %reduce_sum3A_175 = vector.multi_reduction <add>, %add3A_173, %reduce_sum3A_174 [1] : vector<256x128xf32> to vector<256xf32>
    %broadcast_in_dim3A_176 = vector.shape_cast %reduce_sum3A_175 : vector<256xf32> to vector<256x1xf32>
    %div3A_177 = arith.constant 1.280000e+02 : f32
    %div3A_178 = vector.broadcast %div3A_177 : f32 to vector<256x1xf32>
    %div3A_179 = arith.divf %broadcast_in_dim3A_176, %div3A_178 : vector<256x1xf32>
    %sub3A_180 = vector.broadcast %div3A_179 : vector<256x1xf32> to vector<256x128xf32>
    %sub3A_181 = arith.subf %add3A_173, %sub3A_180 : vector<256x128xf32>
    %sub3A_182 = vector.broadcast %div3A_179 : vector<256x1xf32> to vector<256x128xf32>
    %sub3A_183 = arith.subf %add3A_173, %sub3A_182 : vector<256x128xf32>
    %mul3A_184 = arith.mulf %sub3A_181, %sub3A_183 : vector<256x128xf32>
    %reduce_sum3A_185 = arith.constant dense<0.000000e+00> : vector<256xf32>
    %reduce_sum3A_186 = vector.multi_reduction <add>, %mul3A_184, %reduce_sum3A_185 [1] : vector<256x128xf32> to vector<256xf32>
    %broadcast_in_dim3A_187 = vector.shape_cast %reduce_sum3A_186 : vector<256xf32> to vector<256x1xf32>
    %div3A_188 = arith.constant 1.280000e+02 : f32
    %div3A_189 = vector.broadcast %div3A_188 : f32 to vector<256x1xf32>
    %div3A_190 = arith.divf %broadcast_in_dim3A_187, %div3A_189 : vector<256x1xf32>
    %sub3A_191 = vector.broadcast %div3A_179 : vector<256x1xf32> to vector<256x128xf32>
    %sub3A_192 = arith.subf %add3A_173, %sub3A_191 : vector<256x128xf32>
    %add3A_193 = arith.constant 9.99999974E-6 : f32
    %add3A_194 = vector.broadcast %add3A_193 : f32 to vector<256x1xf32>
    %add3A_195 = arith.addf %div3A_190, %add3A_194 : vector<256x1xf32>
    %sqrt3A = math.sqrt %add3A_195 : vector<256x1xf32>
    %div3A_196 = vector.broadcast %sqrt3A : vector<256x1xf32> to vector<256x128xf32>
    %div3A_197 = arith.divf %sub3A_192, %div3A_196 : vector<256x128xf32>
    %get3A_198 = arith.constant 0 : index
    %get3A_199 = arith.constant 0 : index
    %get3A_200 = vector.load %arg17[%get3A_198, %get3A_199] : memref<1x128xf32, #tpu.memory_space<vmem>>, vector<1x128xf32>
    %mul3A_201 = vector.broadcast %get3A_200 : vector<1x128xf32> to vector<256x128xf32>
    %mul3A_202 = arith.mulf %div3A_197, %mul3A_201 : vector<256x128xf32>
    %get3A_203 = arith.constant 0 : index
    %get3A_204 = arith.constant 0 : index
    %get3A_205 = vector.load %arg18[%get3A_203, %get3A_204] : memref<1x128xf32, #tpu.memory_space<vmem>>, vector<1x128xf32>
    %add3A_206 = vector.broadcast %get3A_205 : vector<1x128xf32> to vector<256x128xf32>
    %add3A_207 = arith.addf %mul3A_202, %add3A_206 : vector<256x128xf32>
    %get3A_208 = arith.constant 0 : index
    %get3A_209 = arith.constant 0 : index
    %get3A_210 = vector.load %arg19[%get3A_208, %get3A_209] : memref<128x128xf32, #tpu.memory_space<vmem>>, vector<128x128xf32>
    %dot_general3A_211 = arith.constant dense<0.000000e+00> : vector<256x128xf32>
    %dot_general3A_212 = tpu.matmul %add3A_207, %get3A_210, %dot_general3A_211 {dimension_numbers = #tpu.dot_dimension_numbers<[1], [0], [0], [1], [0, 0, 1, 1], [], []>, transpose_lhs_hint = false} : vector<256x128xf32>, vector<128x128xf32>, vector<256x128xf32> -> vector<256x128xf32>
    %get3A_213 = arith.constant 0 : index
    %get3A_214 = arith.constant 0 : index
    %get3A_215 = vector.load %arg20[%get3A_213, %get3A_214] : memref<1x128xf32, #tpu.memory_space<vmem>>, vector<1x128xf32>
    %add3A_216 = vector.broadcast %get3A_215 : vector<1x128xf32> to vector<256x128xf32>
    %add3A_217 = arith.addf %dot_general3A_212, %add3A_216 : vector<256x128xf32>
    %integer_pow3A_218 = arith.mulf %add3A_217, %add3A_217 : vector<256x128xf32>
    %integer_pow3A_219 = arith.mulf %add3A_217, %integer_pow3A_218 : vector<256x128xf32>
    %mul3A_220 = arith.constant 4.471500e-02 : f32
    %mul3A_221 = vector.broadcast %mul3A_220 : f32 to vector<256x128xf32>
    %mul3A_222 = arith.mulf %mul3A_221, %integer_pow3A_219 : vector<256x128xf32>
    %add3A_223 = arith.addf %add3A_217, %mul3A_222 : vector<256x128xf32>
    %mul3A_224 = arith.constant 0.797884583 : f32
    %mul3A_225 = vector.broadcast %mul3A_224 : f32 to vector<256x128xf32>
    %mul3A_226 = arith.mulf %mul3A_225, %add3A_223 : vector<256x128xf32>
    %tanh3A_227 = math.tanh %mul3A_226 : vector<256x128xf32>
    %add3A_228 = arith.constant 1.000000e+00 : f32
    %add3A_229 = vector.broadcast %add3A_228 : f32 to vector<256x128xf32>
    %add3A_230 = arith.addf %add3A_229, %tanh3A_227 : vector<256x128xf32>
    %mul3A_231 = arith.constant 5.000000e-01 : f32
    %mul3A_232 = vector.broadcast %mul3A_231 : f32 to vector<256x128xf32>
    %mul3A_233 = arith.mulf %mul3A_232, %add3A_230 : vector<256x128xf32>
    %mul3A_234 = arith.mulf %add3A_217, %mul3A_233 : vector<256x128xf32>
    %get3A_235 = arith.constant 0 : index
    %get3A_236 = arith.constant 0 : index
    %get3A_237 = vector.load %arg21[%get3A_235, %get3A_236] : memref<128x64xf32, #tpu.memory_space<vmem>>, vector<128x64xf32>
    %dot_general3A_238 = arith.constant dense<0.000000e+00> : vector<256x64xf32>
    %dot_general3A_239 = tpu.matmul %mul3A_234, %get3A_237, %dot_general3A_238 {dimension_numbers = #tpu.dot_dimension_numbers<[1], [0], [0], [1], [0, 0, 1, 1], [], []>, transpose_lhs_hint = false} : vector<256x128xf32>, vector<128x64xf32>, vector<256x64xf32> -> vector<256x64xf32>
    %get3A_240 = arith.constant 0 : index
    %get3A_241 = arith.constant 0 : index
    %get3A_242 = vector.load %arg22[%get3A_240, %get3A_241] : memref<1x64xf32, #tpu.memory_space<vmem>>, vector<1x64xf32>
    %add3A_243 = vector.broadcast %get3A_242 : vector<1x64xf32> to vector<256x64xf32>
    %add3A_244 = arith.addf %dot_general3A_239, %add3A_243 : vector<256x64xf32>
    %integer_pow3A_245 = arith.mulf %add3A_244, %add3A_244 : vector<256x64xf32>
    %integer_pow3A_246 = arith.mulf %add3A_244, %integer_pow3A_245 : vector<256x64xf32>
    %mul3A_247 = arith.constant 4.471500e-02 : f32
    %mul3A_248 = vector.broadcast %mul3A_247 : f32 to vector<256x64xf32>
    %mul3A_249 = arith.mulf %mul3A_248, %integer_pow3A_246 : vector<256x64xf32>
    %add3A_250 = arith.addf %add3A_244, %mul3A_249 : vector<256x64xf32>
    %mul3A_251 = arith.constant 0.797884583 : f32
    %mul3A_252 = vector.broadcast %mul3A_251 : f32 to vector<256x64xf32>
    %mul3A_253 = arith.mulf %mul3A_252, %add3A_250 : vector<256x64xf32>
    %tanh3A_254 = math.tanh %mul3A_253 : vector<256x64xf32>
    %add3A_255 = arith.constant 1.000000e+00 : f32
    %add3A_256 = vector.broadcast %add3A_255 : f32 to vector<256x64xf32>
    %add3A_257 = arith.addf %add3A_256, %tanh3A_254 : vector<256x64xf32>
    %mul3A_258 = arith.constant 5.000000e-01 : f32
    %mul3A_259 = vector.broadcast %mul3A_258 : f32 to vector<256x64xf32>
    %mul3A_260 = arith.mulf %mul3A_259, %add3A_257 : vector<256x64xf32>
    %mul3A_261 = arith.mulf %add3A_244, %mul3A_260 : vector<256x64xf32>
    %get3A_262 = arith.constant 0 : index
    %get3A_263 = arith.constant 0 : index
    %get3A_264 = vector.load %arg23[%get3A_262, %get3A_263] : memref<64x1xf32, #tpu.memory_space<vmem>>, vector<64x1xf32>
    %dot_general3A_265 = arith.constant dense<0.000000e+00> : vector<256x1xf32>
    %dot_general3A_266 = tpu.matmul %mul3A_261, %get3A_264, %dot_general3A_265 {dimension_numbers = #tpu.dot_dimension_numbers<[1], [0], [0], [1], [0, 0, 1, 1], [], []>, transpose_lhs_hint = false} : vector<256x64xf32>, vector<64x1xf32>, vector<256x1xf32> -> vector<256x1xf32>
    %get3A_267 = arith.constant 0 : index
    %get3A_268 = arith.constant 0 : index
    %get3A_269 = vector.load %arg24[%get3A_267, %get3A_268] : memref<1x1xf32, #tpu.memory_space<vmem>>, vector<1x1xf32>
    %add3A_270 = vector.broadcast %get3A_269 : vector<1x1xf32> to vector<256x1xf32>
    %add3A_271 = arith.addf %dot_general3A_266, %add3A_270 : vector<256x1xf32>
    %swap3A = arith.constant 0 : index
    %swap3A_272 = arith.constant 0 : index
    %swap3A_273 = vector.load %arg25[%swap3A, %swap3A_272] : memref<256x1xf32, #tpu.memory_space<vmem>>, vector<256x1xf32>
    tpu.vector_store %arg25[%swap3A, %swap3A_272], %add3A_271 {strides = array<i32>} : memref<256x1xf32, #tpu.memory_space<vmem>>, vector<256x1xf32>,
    return
  }
  func.func @transform_0(%arg0: i32) -> (i32, i32) {
    %c0_i32 = arith.constant 0 : i32
    %c0_i32_0 = arith.constant 0 : i32
    return %arg0, %c0_i32 : i32, i32
  }
  func.func @transform_1(%arg0: i32) -> (i32, i32) {
    %c0_i32 = arith.constant 0 : i32
    %c0_i32_0 = arith.constant 0 : i32
    return %arg0, %c0_i32 : i32, i32
  }
  func.func @transform_2(%arg0: i32) -> (i32, i32) {
    %c0_i32 = arith.constant 0 : i32
    %c0_i32_0 = arith.constant 0 : i32
    %c0_i32_1 = arith.constant 0 : i32
    return %c0_i32, %c0_i32_0 : i32, i32
  }
  func.func @transform_3(%arg0: i32) -> (i32, i32) {
    %c0_i32 = arith.constant 0 : i32
    %c0_i32_0 = arith.constant 0 : i32
    %c0_i32_1 = arith.constant 0 : i32
    return %c0_i32, %c0_i32_0 : i32, i32
  }
  func.func @transform_4(%arg0: i32) -> (i32, i32) {
    %c0_i32 = arith.constant 0 : i32
    %c0_i32_0 = arith.constant 0 : i32
    %c0_i32_1 = arith.constant 0 : i32
    return %c0_i32, %c0_i32_0 : i32, i32
  }
  func.func @transform_5(%arg0: i32) -> (i32, i32) {
    %c0_i32 = arith.constant 0 : i32
    %c0_i32_0 = arith.constant 0 : i32
    %c0_i32_1 = arith.constant 0 : i32
    return %c0_i32, %c0_i32_0 : i32, i32
  }
  func.func @transform_6(%arg0: i32) -> (i32, i32) {
    %c0_i32 = arith.constant 0 : i32
    %c0_i32_0 = arith.constant 0 : i32
    %c0_i32_1 = arith.constant 0 : i32
    return %c0_i32, %c0_i32_0 : i32, i32
  }
  func.func @transform_7(%arg0: i32) -> (i32, i32) {
    %c0_i32 = arith.constant 0 : i32
    %c0_i32_0 = arith.constant 0 : i32
    %c0_i32_1 = arith.constant 0 : i32
    return %c0_i32, %c0_i32_0 : i32, i32
  }
  func.func @transform_8(%arg0: i32) -> (i32, i32) {
    %c0_i32 = arith.constant 0 : i32
    %c0_i32_0 = arith.constant 0 : i32
    %c0_i32_1 = arith.constant 0 : i32
    return %c0_i32, %c0_i32_0 : i32, i32
  }
  func.func @transform_9(%arg0: i32) -> (i32, i32) {
    %c0_i32 = arith.constant 0 : i32
    %c0_i32_0 = arith.constant 0 : i32
    %c0_i32_1 = arith.constant 0 : i32
    return %c0_i32, %c0_i32_0 : i32, i32
  }
  func.func @transform_10(%arg0: i32) -> (i32, i32) {
    %c0_i32 = arith.constant 0 : i32
    %c0_i32_0 = arith.constant 0 : i32
    %c0_i32_1 = arith.constant 0 : i32
    return %c0_i32, %c0_i32_0 : i32, i32
  }
  func.func @transform_11(%arg0: i32) -> (i32, i32) {
    %c0_i32 = arith.constant 0 : i32
    %c0_i32_0 = arith.constant 0 : i32
    %c0_i32_1 = arith.constant 0 : i32
    return %c0_i32, %c0_i32_0 : i32, i32
  }
  func.func @transform_12(%arg0: i32) -> (i32, i32) {
    %c0_i32 = arith.constant 0 : i32
    %c0_i32_0 = arith.constant 0 : i32
    %c0_i32_1 = arith.constant 0 : i32
    return %c0_i32, %c0_i32_0 : i32, i32
  }
  func.func @transform_13(%arg0: i32) -> (i32, i32) {
    %c0_i32 = arith.constant 0 : i32
    %c0_i32_0 = arith.constant 0 : i32
    %c0_i32_1 = arith.constant 0 : i32
    return %c0_i32, %c0_i32_0 : i32, i32
  }
  func.func @transform_14(%arg0: i32) -> (i32, i32) {
    %c0_i32 = arith.constant 0 : i32
    %c0_i32_0 = arith.constant 0 : i32
    %c0_i32_1 = arith.constant 0 : i32
    return %c0_i32, %c0_i32_0 : i32, i32
  }
  func.func @transform_15(%arg0: i32) -> (i32, i32) {
    %c0_i32 = arith.constant 0 : i32
    %c0_i32_0 = arith.constant 0 : i32
    %c0_i32_1 = arith.constant 0 : i32
    return %c0_i32, %c0_i32_0 : i32, i32
  }
  func.func @transform_16(%arg0: i32) -> (i32, i32) {
    %c0_i32 = arith.constant 0 : i32
    %c0_i32_0 = arith.constant 0 : i32
    %c0_i32_1 = arith.constant 0 : i32
    return %c0_i32, %c0_i32_0 : i32, i32
  }
  func.func @transform_17(%arg0: i32) -> (i32, i32) {
    %c0_i32 = arith.constant 0 : i32
    %c0_i32_0 = arith.constant 0 : i32
    %c0_i32_1 = arith.constant 0 : i32
    return %c0_i32, %c0_i32_0 : i32, i32
  }
  func.func @transform_18(%arg0: i32) -> (i32, i32) {
    %c0_i32 = arith.constant 0 : i32
    %c0_i32_0 = arith.constant 0 : i32
    %c0_i32_1 = arith.constant 0 : i32
    return %c0_i32, %c0_i32_0 : i32, i32
  }
  func.func @transform_19(%arg0: i32) -> (i32, i32) {
    %c0_i32 = arith.constant 0 : i32
    %c0_i32_0 = arith.constant 0 : i32
    %c0_i32_1 = arith.constant 0 : i32
    return %c0_i32, %c0_i32_0 : i32, i32
  }
  func.func @transform_20(%arg0: i32) -> (i32, i32) {
    %c0_i32 = arith.constant 0 : i32
    %c0_i32_0 = arith.constant 0 : i32
    %c0_i32_1 = arith.constant 0 : i32
    return %c0_i32, %c0_i32_0 : i32, i32
  }
  func.func @transform_21(%arg0: i32) -> (i32, i32) {
    %c0_i32 = arith.constant 0 : i32
    %c0_i32_0 = arith.constant 0 : i32
    %c0_i32_1 = arith.constant 0 : i32
    return %c0_i32, %c0_i32_0 : i32, i32
  }
  func.func @transform_22(%arg0: i32) -> (i32, i32) {
    %c0_i32 = arith.constant 0 : i32
    %c0_i32_0 = arith.constant 0 : i32
    %c0_i32_1 = arith.constant 0 : i32
    return %c0_i32, %c0_i32_0 : i32, i32
  }
  func.func @transform_23(%arg0: i32) -> (i32, i32) {
    %c0_i32 = arith.constant 0 : i32
    %c0_i32_0 = arith.constant 0 : i32
    %c0_i32_1 = arith.constant 0 : i32
    return %c0_i32, %c0_i32_0 : i32, i32
  }
  func.func @transform_24(%arg0: i32) -> (i32, i32) {
    %c0_i32 = arith.constant 0 : i32
    %c0_i32_0 = arith.constant 0 : i32
    return %arg0, %c0_i32 : i32, i32
  }
}

</mosaic_0001>

<sc_bundles>
// kernel: kernel.6.cloned.1.call-start
scs
__scs_entry_jumppad:
0x0: {  	(pc) =	sbr.rel $0x88, $3  }
0x1: {  	(tag) =	ssettag $0x0;
	lr =	simm.s32 $0x1  }
0x2: {  	[smem:$0x3F88] =	sst lr;
	_ =	strace $0xD0000000  }
0x3: {  	_ = 	snop  }
0x4: {  	_ = 	snop  }
0x5: {  	_ = 	snop  }
0x6: {  	_ = 	snop  }
0x7: {  	_ = 	snop  }
__scs_overlays_trampoline_lowered:
0x8: {  	[smem:$0x3F97] =	sst s0  }
0x9: {  	[smem:$0x3F98] =	sst s1  }
0xa: {  	[smem:$0x3F99] =	sst s2  }
0xb: {  	[smem:$0x3F9A] =	sst s3  }
0xc: {  	[smem:$0x3F9B] =	sst s4  }
0xd: {  	[smem:$0x3F9C] =	sst s5  }
0xe: {  	[smem:$0x3F9D] =	sst s6  }
0xf: {  	[smem:$0x3F9E] =	sst s7  }
0x10: {  	[smem:$0x3F9F] =	sst s8  }
0x11: {  	[smem:$0x3FA0] =	sst s9;
	s0 =	simm.s32 @!p0 $0x0  }
0x12: {  	s1 =	sld [smem:$0x3F86];
	s0 =	simm.s32 @p0 $0x1  }
0x13: {  	[smem:$0x3FA1] =	sst s0;
	s0 =	simm.s32 @!p1 $0x0  }
0x14: {  	s2 =	sld [smem:$0x3F85];
	s0 =	simm.s32 @p1 $0x1  }
0x15: {  	[smem:$0x3FA2] =	sst s0;
	s0 =	simm.s32 @!p2 $0x0  }
0x16: {  	s3 =	sld [smem:$0x3FDB];
	s0 =	simm.s32 @p2 $0x1  }
0x17: {  	s4 =	simm.s32 $0x1BF5;
	[smem:$0x3FA4] =	sst s0  }
0x18: {  	s0 =	sld [smem:$0x3F87];
	_ =	swait.ge [sflag:s4], $0x0  }
0x19: {  	s7 =	sld [smem:$0x3F88]  }
0x1a: {  	s8 =	sadd.s32 $0xFFFFE003, lr  }
0x1b: {  	s9 =	sadd.s32 $0xFFFFFEF7, lr;
	s5 =	simm.s32 $0xFFFFFFFF;
	p2 =	slt.u32 s8, $0xFFFFF086  }
0x1c: {  	p1 =	slt.u32 s9, $0xF7A;
	s5 =	simm.s32 @!p2 $0x0  }
0x1d: {  	s5 =	simm.s32 @p1 $0x1;
	p0 =	seq.s32 s7, s2  }
0x1e: {  	s7 =	smul.u32 @!p0 $0xF7A, s2;
	p2 =	seq.s32 @!p0 s5, $0x0  }
0x1f: {  	s9 =	smul.u32 $0xF7A, s1;
	s8 =	simm.s32 @!p0 $0x1BF5;
	p2 =	por !p2, p0  }
0x20: {  	[sflag:s8] =	ssyncset.s32 @!p0 $0xFFFFF086;
	s6 =	sadd.s32 @!p0 s3, s7;
	s7 =	simm.s32 @!p0 $0x108  }
0x21: {  	s3 =	sadd.s32 s3, s9;
	s6 =	sadd.s32 @!p0 $0x88, s6;
	s7 =	simm.s32 @p2 $0x1082  }
0x22: {  	[simem:s7], [sflag:s8] =	dma.local @!p0 [hbm:s6], $0xF7A  }
0x23: {  	s9 =	sor.u32 $0xD0000000, s2;
	s6 =	simm.s32 $0x108;
	_ =	swait.ge @!p0 [sflag:s8], $0x0  }
0x24: {  	s3 =	sadd.s32 $0x88, s3;
	s6 =	simm.s32 @!p1 $0x1082;
	[sflag:s4] =	ssyncset.s32 $0xFFFFF086  }
0x25: {  	[simem:s6], [sflag:s4] =	dma.local [hbm:s3], $0xF7A  }
0x26: {  	[smem:$0x3F88] =	sst s1;
	(tag) =	ssettag s2;
	_ =	strace s9  }
0x27: {  	s1 =	sld [smem:$0x3F98]  }
0x28: {  	s2 =	sld [smem:$0x3F99]  }
0x29: {  	s4 =	sld [smem:$0x3F9B]  }
0x2a: {  	p0 =	seq.s32 s5, $0x0;
	s5 =	sld [smem:$0x3F9C]  }
0x2b: {  	s6 =	sld [smem:$0x3F9D]  }
0x2c: {  	s7 =	sld [smem:$0x3F9E]  }
0x2d: {  	s3 =	simm.s32 $0x108;
	s8 =	sld [smem:$0x3F9F]  }
0x2e: {  	s3 =	simm.s32 @!p0 $0x1082;
	s9 =	sld [smem:$0x3FA0]  }
0x2f: {  	lr =	sadd.s32 s0, s3;
	s0 =	sld [smem:$0x3F97]  }
0x30: {  	s3 =	sld [smem:$0x3F9A]  }
0x31: {  	[smem:$0x3FA3] =	sst s10  }
0x32: {  	s10 =	sld [smem:$0x3FA1];
	_ =	sdelay $0x3  }
0x33: {  	p0 =	seq.s32 s10, $0x1;
	s10 =	sld [smem:$0x3FA3];
	_ =	sdelay $0x3  }
0x34: {  	[smem:$0x3FA3] =	sst s10  }
0x35: {  	s10 =	sld [smem:$0x3FA2];
	_ =	sdelay $0x3  }
0x36: {  	p1 =	seq.s32 s10, $0x1;
	s10 =	sld [smem:$0x3FA3];
	_ =	sdelay $0x3  }
0x37: {  	[smem:$0x3FA3] =	sst s10  }
0x38: {  	s10 =	sld [smem:$0x3FA4]  }
0x39: {  	_ = 	snop;
	(pc) =	sbr.ind lr, $3  }
0x3a: {  	_ = 	snop  }
0x3b: {  	_ = 	snop  }
0x3c: {  	p2 =	seq.s32 s10, $0x1;
	s10 =	sld [smem:$0x3FA3]  }
0x3d: {  	_ =	shalt  }
0x3e: {  	_ =	shalt  }
0x3f: {  	_ =	shalt  }
0x40: {  	_ =	shalt  }
0x41: {  	_ =	shalt  }
0x42: {  	_ =	shalt  }
0x43: {  	_ =	shalt  }
0x44: {  	_ =	shalt  }
0x45: {  	_ =	shalt  }
0x46: {  	_ =	shalt  }
0x47: {  	_ =	shalt  }
0x48: {  	_ =	shalt  }
0x49: {  	_ =	shalt  }
0x4a: {  	_ =	shalt  }
0x4b: {  	_ =	shalt  }
0x4c: {  	_ =	shalt  }
0x4d: {  	_ =	shalt  }
0x4e: {  	_ =	shalt  }
0x4f: {  	_ =	shalt  }
0x50: {  	_ =	shalt  }
0x51: {  	_ =	shalt  }
0x52: {  	_ =	shalt  }
0x53: {  	_ =	shalt  }
0x54: {  	_ =	shalt  }
0x55: {  	_ =	shalt  }
0x56: {  	_ =	shalt  }
0x57: {  	_ =	shalt  }
0x58: {  	_ =	shalt  }
0x59: {  	_ =	shalt  }
0x5a: {  	_ =	shalt  }
0x5b: {  	_ =	shalt  }
0x5c: {  	_ =	shalt  }
0x5d: {  	_ =	shalt  }
0x5e: {  	_ =	shalt  }
0x5f: {  	_ =	shalt  }
0x60: {  	_ =	shalt  }
0x61: {  	_ =	shalt  }
0x62: {  	_ =	shalt  }
0x63: {  	_ =	shalt  }
0x64: {  	_ =	shalt  }
0x65: {  	_ =	shalt  }
0x66: {  	_ =	shalt  }
0x67: {  	_ =	shalt  }
0x68: {  	_ =	shalt  }
0x69: {  	_ =	shalt  }
0x6a: {  	_ =	shalt  }
0x6b: {  	_ =	shalt  }
0x6c: {  	_ =	shalt  }
0x6d: {  	_ =	shalt  }
0x6e: {  	_ =	shalt  }
0x6f: {  	_ =	shalt  }
0x70: {  	_ =	shalt  }
0x71: {  	_ =	shalt  }
0x72: {  	_ =	shalt  }
0x73: {  	_ =	shalt  }
0x74: {  	_ =	shalt  }
0x75: {  	_ =	shalt  }
0x76: {  	_ =	shalt  }
0x77: {  	_ =	shalt  }
0x78: {  	_ =	shalt  }
0x79: {  	_ =	shalt  }
0x7a: {  	_ =	shalt  }
0x7b: {  	_ =	shalt  }
0x7c: {  	_ =	shalt  }
0x7d: {  	_ =	shalt  }
0x7e: {  	_ =	shalt  }
0x7f: {  	_ =	shalt  }
0x80: {  	_ =	shalt  }
0x81: {  	_ =	shalt  }
0x82: {  	_ =	shalt  }
0x83: {  	_ =	shalt  }
0x84: {  	_ =	shalt  }
0x85: {  	_ =	shalt  }
0x86: {  	_ =	shalt  }
0x87: {  	_ =	shalt  }
.Lfunc_end0:
.L_simem_size_0:
called_computation_lowered:
.L_overlay_start_0:
0x88: {  	s2 =	sld [smem:$0x3FD9]  }
0x89: {  	s3 =	sld [smem:$0x3FFE];
	_ =	sdelay $0x1  }
0x8a: {  	s1 =	srdreg.scid  }
0x8b: {  	s0 =	sand.u32 $0x1, s1  }
0x8c: {  	s16 =	sshll.u32 s0, $0xA;
	s2 =	sadd.s32 s3, s2  }
0x8d: {  	s2 =	sadd.s32 s2, s16  }
0x8e: {  	[smem:$0x3FAF] =	sst s2  }
0x8f: {  	_ = 	snop  }
0x90: {  	(tm) =	ssettm $0x1  }
0x91: {  	s17 =	sld [smem:$0x3FFB];
	_ =	sdelay $0x3  }
0x92: {  	_ =	strace s17  }
0x93: {  	s2 =	sld [smem:$0x3FFC];
	_ =	sdelay $0x3  }
0x94: {  	_ =	strace s2  }
0x95: {  	s2 =	sld [smem:$0x3FFD];
	_ =	sdelay $0x3  }
0x96: {  	_ =	strace s2  }
0x97: {  	_ =	strace $0x8FFFFFFF  }
0x98: {  	s18 =	sld [smem:$0x3FDB];
	_ =	sdelay $0x1  }
0x99: {  	s19 =	simm.s32 $_scs_section_size  }
0x9a: {  	s4 =	simm.s32 $_size__tile_overlayer_lowered;
	s5 =	simm.s32 $_tile_overlayer_lowered  }
0x9b: {  	s22 =	simm.s32 $0x1BFF;
	s21 =	sshll.u32 s5, $0x1;
	s2 =	sadd.s32 s19, s18  }
0x9c: {  	s6 =	simm.s32 $0x0;
	s20 =	sshll.u32 s4, $0x1;
	s4 =	sadd.s32 s21, s2  }
0x9d: {  	[timem:s6], [sflag:s22] =	dma.local [hbm:s4], s20  }
0x9e: {  	_ =	swait.ge [sflag:s22], s20  }
0x9f: {  	s3 =	ssub.s32 $0x0, s20;
	[sflag:s22] =	ssyncset.done $0x0  }
0xa0: {  	[sflag:s22] =	ssyncadd.s32 s3;
	_ =	sdelay $0x1  }
0xa1: {  	s23 =	simm.s32 $0x1B8B  }
0xa2: {  	_ =	swait.ge [sflag:s23], $0x1  }
0xa3: {  	[sflag:s23] =	ssyncset.done $0x0  }
0xa4: {  	s25 =	simm.s32 $0x1B8E;
	s24 =	sld [smem:$0x3FFE];
	[sflag:s23] =	ssyncadd.s32 $0xFFFFFFFF  }
0xa5: {  	s26 =	simm.s32 $execute0_lowered;
	[smem:$0x3FD2] =	sst s25  }
0xa6: {  	s4 =	sshll.u32 s26, $0x1;
	_ =	strace $0x80000046;
	[dreg:$0x1] =	wrdreg $0xFFFFFFFF  }
0xa7: {  	s28 =	simm.s32 $_size_execute0_lowered;
	s2 =	sadd.s32 s2, s4;
	[dreg:$0x0] =	wrdreg $0x0  }
0xa8: {  	s4 =	sshll.u32 s28, $0x1;
	[dreg:$0x2] =	wrdreg s2  }
0xa9: {  	[dreg:$0x3] =	wrdreg s4  }
0xaa: {  	[dreg:$0x4] =	wrdreg $0xC0  }
0xab: {  	_ =	task [dreg:s6], $0x5FFFF  }
0xac: {  	[dreg:$0x1] =	wrdreg $0xFFFFFFFF  }
0xad: {  	[dreg:$0x0] =	wrdreg $0x60  }
0xae: {  	[dreg:$0x2] =	wrdreg s24  }
0xaf: {  	[dreg:$0x3] =	wrdreg $0x9  }
0xb0: {  	_ =	task.clear_ibuf [dreg:s6], $0x4FFFF;
	_ =	strace $0x90000046  }
0xb1: {  	s29 =	simm.s32 $0x9;
	_ =	strace $0x80000048  }
0xb2: {  	_ =	swait.ge [sflag:s29], $0x1  }
0xb3: {  	[sflag:s29] =	ssyncadd.s32 $0xFFFFFFFF  }
0xb4: {  	_ =	strace $0x90000048  }
0xb5: {  	_ =	sfence  }
0xb6: {  	s30 =	sld [smem:$0x0];
	_ =	sdelay $0x2  }
0xb7: {  	s31 =	sshll.u32 s1, $0xD;
	s1 =	sshrl.u32 s1, $0x2  }
0xb8: {  	s3 =	sand.u32 $0x4000, s31;
	s1 =	sadd.s32 s1, s30  }
0xb9: {  	s0 =	sor.u32 s3, s0;
	s1 =	sshll.u32 s1, $0x11  }
0xba: {  	s0 =	sor.u32 s1, s0  }
0xbb: {  	s0 =	sadd.s32 $0x8F2B, s0  }
0xbc: {  	[sflag:s0] =	ssyncadd.remote.s32 $0x1  }
0xbd: {  	_ =	sfence.sel $0xFFFF  }
0xbe: {  	[dreg:$0x0] =	wrdreg $0xFFFFFFFF;
	(pc) =	sbr.abs _section_cstart, $3  }
0xbf: {  	[dreg:$0x1] =	wrdreg $0xFFFFFFFF  }
0xc0: {  	_ =	task.clear_ibuf [dreg:s6], $0x2FFFF;
	_ =	strace $0x9FFFFFFF  }
0xc1: {  	(tm) =	ssettm $0x7FFFFFFF  }
tec
execute0_lowered:
.L_overlay_start_1:
0x0: {  	(tag) =	ssettag $0x1  }
0x1: {  	s1 =	srdreg.scid  }
0x2: {  	s0 =	stileid.u32;
	s1 =	sand.u32 $0x1, s1  }
0x3: {  	s2 =	sshll.u32 s0, $0xC;
	s3 =	sshll.u32 s1, $0xB  }
0x4: {  	s3 =	sor.u32 s3, s2  }
0x5: {  	s4 =	rddreg [dreg:$0x0];
	s5 =	sshrl.u32 s3, $0x3  }
0x6: {  	s2 =	simm.s32 $0x0;
	s3 =	sshll.u32 s3, $0x4;
	s5 =	sadd.s32 s5, s4  }
0x7: {  	[smem:$0x7FF] =	sst s2;
	s31 =	sadd.s32 s3, s4;
	s16 =	sadd.s32 $0x3000, s5  }
0x8: {  	_ =	strace $0x80000047;
	s17 =	sadd.s32 $0x5000, s31;
	[dreg:$0x2] =	wrdreg s16  }
0x9: {  	s18 =	sadd.s32 $0x5800, s31;
	[dreg:$0x3] =	wrdreg s17  }
0xa: {  	s19 =	sadd.s32 $0x6000, s31;
	[dreg:$0x4] =	wrdreg s18  }
0xb: {  	s20 =	sadd.s32 $0x6800, s31;
	[dreg:$0x5] =	wrdreg s19  }
0xc: {  	s21 =	sadd.s32 $0x7000, s31;
	[dreg:$0x6] =	wrdreg s20  }
0xd: {  	s22 =	sadd.s32 $0x7800, s31;
	[dreg:$0x7] =	wrdreg s21  }
0xe: {  	s23 =	sadd.s32 $0x8000, s31;
	[dreg:$0x8] =	wrdreg s22  }
0xf: {  	s24 =	sadd.s32 $0x8800, s31;
	[dreg:$0x9] =	wrdreg s23  }
0x10: {  	s26 =	sadd.s32 $0x9000, s31;
	[dreg:$0xa] =	wrdreg s24  }
0x11: {  	[dreg:$0xb] =	wrdreg s26  }
0x12: {  	s3 =	simm.s32 $0x3;
	s25 =	rddreg [dreg:$0x2]  }
0x13: {  	[tilespmem:s2], [sflag:$0x3] =	stream.linear.gather [hbm4b:s25+s2], $0x800, $0x38;
	[tilespmem:$0x8800] =	vst v63  }
0x14: {  	_ =	swait.ge [sflag:s3], $0x800  }
0x15: {  	s6 =	simm.s32 $0x800;
	[sflag:s3] =	ssyncset.done $0x0  }
0x16: {  	s4 =	sadd.s32 $0x18D000, s4;
	s5 =	simm.s32 $0x80;
	[sflag:s3] =	ssyncadd.s32 $0xFFFFF800  }
0x17: {  	[tilespmem:s6], [sflag:$0x1] =	stream.indirect.gather [hbm4b:s4+s5], $0x80, s2, s5, $0xb8;
	[tilespmem:$0x8800] =	vst v63  }
0x18: {  	s7 =	simm.s32 $0x4800;
	s8 =	simm.s32 $0x1  }
0x19: {  	[tilespmem:s7], [sflag:$0x2] =	stream.indirect.gather [hbm4b:s4+s5], $0x80, s5, s5, $0xb8;
	[tilespmem:$0x8800] =	vst v63  }
0x1a: {  	_ =	swait.ge [sflag:s8], $0x4000  }
0x1b: {  	[sflag:s8] =	ssyncset.done $0x0  }
0x1c: {  	s9 =	rddreg [dreg:$0x3];
	[sflag:s8] =	ssyncadd.s32 $0xFFFFC000  }
0x1d: {  	[hbm4b:s9+s2] =	stream.linear.scatter [tilespmem:s6], [sflag:$0x3], $0x4000, $0x38;
	[tilespmem:$0x8800] =	vst v63  }
0x1e: {  	_ =	swait.ge [sflag:s3], $0x4000  }
0x1f: {  	[sflag:s3] =	ssyncset.done $0x0  }
0x20: {  	s10 =	simm.s32 $0x2;
	s9 =	simm.s32 $0x100;
	[sflag:s3] =	ssyncadd.s32 $0xFFFFC000  }
0x21: {  	[tilespmem:s6], [sflag:$0x1] =	stream.indirect.gather [hbm4b:s4+s5], $0x80, s9, s5, $0xb8;
	[tilespmem:$0x8800] =	vst v63  }
0x22: {  	_ =	swait.ge [sflag:s10], $0x4000  }
0x23: {  	[sflag:s10] =	ssyncset.done $0x0  }
0x24: {  	s11 =	rddreg [dreg:$0x4];
	[sflag:s10] =	ssyncadd.s32 $0xFFFFC000  }
0x25: {  	[hbm4b:s11+s2] =	stream.linear.scatter [tilespmem:s7], [sflag:$0x3], $0x4000, $0x38;
	[tilespmem:$0x8800] =	vst v63  }
0x26: {  	_ =	swait.ge [sflag:s3], $0x4000  }
0x27: {  	[sflag:s3] =	ssyncset.done $0x0  }
0x28: {  	s11 =	simm.s32 $0x180;
	[sflag:s3] =	ssyncadd.s32 $0xFFFFC000  }
0x29: {  	[tilespmem:s7], [sflag:$0x2] =	stream.indirect.gather [hbm4b:s4+s5], $0x80, s11, s5, $0xb8;
	[tilespmem:$0x8800] =	vst v63  }
0x2a: {  	_ =	swait.ge [sflag:s8], $0x4000  }
0x2b: {  	[sflag:s8] =	ssyncset.done $0x0  }
0x2c: {  	s12 =	rddreg [dreg:$0x5];
	[sflag:s8] =	ssyncadd.s32 $0xFFFFC000  }
0x2d: {  	[hbm4b:s12+s2] =	stream.linear.scatter [tilespmem:s6], [sflag:$0x3], $0x4000, $0x38;
	[tilespmem:$0x8800] =	vst v63  }
0x2e: {  	_ =	swait.ge [sflag:s3], $0x4000  }
0x2f: {  	[sflag:s3] =	ssyncset.done $0x0  }
0x30: {  	s12 =	simm.s32 $0x200;
	[sflag:s3] =	ssyncadd.s32 $0xFFFFC000  }
0x31: {  	[tilespmem:s6], [sflag:$0x1] =	stream.indirect.gather [hbm4b:s4+s5], $0x80, s12, s5, $0xb8;
	[tilespmem:$0x8800] =	vst v63  }
0x32: {  	_ =	swait.ge [sflag:s10], $0x4000  }
0x33: {  	[sflag:s10] =	ssyncset.done $0x0  }
0x34: {  	s13 =	rddreg [dreg:$0x6];
	[sflag:s10] =	ssyncadd.s32 $0xFFFFC000  }
0x35: {  	[hbm4b:s13+s2] =	stream.linear.scatter [tilespmem:s7], [sflag:$0x3], $0x4000, $0x38;
	[tilespmem:$0x8800] =	vst v63  }
0x36: {  	_ =	swait.ge [sflag:s3], $0x4000  }
0x37: {  	[sflag:s3] =	ssyncset.done $0x0  }
0x38: {  	s13 =	simm.s32 $0x280;
	[sflag:s3] =	ssyncadd.s32 $0xFFFFC000  }
0x39: {  	[tilespmem:s7], [sflag:$0x2] =	stream.indirect.gather [hbm4b:s4+s5], $0x80, s13, s5, $0xb8;
	[tilespmem:$0x8800] =	vst v63  }
0x3a: {  	_ =	swait.ge [sflag:s8], $0x4000  }
0x3b: {  	[sflag:s8] =	ssyncset.done $0x0  }
0x3c: {  	s14 =	rddreg [dreg:$0x7];
	[sflag:s8] =	ssyncadd.s32 $0xFFFFC000  }
0x3d: {  	[hbm4b:s14+s2] =	stream.linear.scatter [tilespmem:s6], [sflag:$0x3], $0x4000, $0x38;
	[tilespmem:$0x8800] =	vst v63  }
0x3e: {  	_ =	swait.ge [sflag:s3], $0x4000  }
0x3f: {  	[sflag:s3] =	ssyncset.done $0x0  }
0x40: {  	s14 =	simm.s32 $0x300;
	[sflag:s3] =	ssyncadd.s32 $0xFFFFC000  }
0x41: {  	[tilespmem:s6], [sflag:$0x1] =	stream.indirect.gather [hbm4b:s4+s5], $0x80, s14, s5, $0xb8;
	[tilespmem:$0x8800] =	vst v63  }
0x42: {  	_ =	swait.ge [sflag:s10], $0x4000  }
0x43: {  	[sflag:s10] =	ssyncset.done $0x0  }
0x44: {  	s15 =	rddreg [dreg:$0x8];
	[sflag:s10] =	ssyncadd.s32 $0xFFFFC000  }
0x45: {  	[hbm4b:s15+s2] =	stream.linear.scatter [tilespmem:s7], [sflag:$0x3], $0x4000, $0x38;
	[tilespmem:$0x8800] =	vst v63  }
0x46: {  	_ =	swait.ge [sflag:s3], $0x4000  }
0x47: {  	[sflag:s3] =	ssyncset.done $0x0  }
0x48: {  	s15 =	simm.s32 $0x380;
	[sflag:s3] =	ssyncadd.s32 $0xFFFFC000  }
0x49: {  	[tilespmem:s7], [sflag:$0x2] =	stream.indirect.gather [hbm4b:s4+s5], $0x80, s15, s5, $0xb8;
	[tilespmem:$0x8800] =	vst v63  }
0x4a: {  	_ =	swait.ge [sflag:s8], $0x4000  }
0x4b: {  	[sflag:s8] =	ssyncset.done $0x0  }
0x4c: {  	s16 =	rddreg [dreg:$0x9];
	[sflag:s8] =	ssyncadd.s32 $0xFFFFC000  }
0x4d: {  	[hbm4b:s16+s2] =	stream.linear.scatter [tilespmem:s6], [sflag:$0x3], $0x4000, $0x38;
	[tilespmem:$0x8800] =	vst v63  }
0x4e: {  	_ =	swait.ge [sflag:s3], $0x4000  }
0x4f: {  	[sflag:s3] =	ssyncset.done $0x0  }
0x50: {  	s16 =	simm.s32 $0x400;
	[sflag:s3] =	ssyncadd.s32 $0xFFFFC000  }
0x51: {  	[tilespmem:s6], [sflag:$0x1] =	stream.indirect.gather [hbm4b:s4+s5], $0x80, s16, s5, $0xb8;
	[tilespmem:$0x8800] =	vst v63  }
0x52: {  	_ =	swait.ge [sflag:s10], $0x4000  }
0x53: {  	[sflag:s10] =	ssyncset.done $0x0  }
0x54: {  	s17 =	rddreg [dreg:$0xa];
	[sflag:s10] =	ssyncadd.s32 $0xFFFFC000  }
0x55: {  	[hbm4b:s17+s2] =	stream.linear.scatter [tilespmem:s7], [sflag:$0x3], $0x4000, $0x38;
	[tilespmem:$0x8800] =	vst v63  }
0x56: {  	_ =	swait.ge [sflag:s3], $0x4000  }
0x57: {  	[sflag:s3] =	ssyncset.done $0x0  }
0x58: {  	s17 =	simm.s32 $0x480;
	[sflag:s3] =	ssyncadd.s32 $0xFFFFC000  }
0x59: {  	[tilespmem:s7], [sflag:$0x2] =	stream.indirect.gather [hbm4b:s4+s5], $0x80, s17, s5, $0xb8;
	[tilespmem:$0x8800] =	vst v63  }
0x5a: {  	_ =	swait.ge [sflag:s8], $0x4000  }
0x5b: {  	[sflag:s8] =	ssyncset.done $0x0  }
0x5c: {  	s18 =	rddreg [dreg:$0xb];
	[sflag:s8] =	ssyncadd.s32 $0xFFFFC000  }
0x5d: {  	[hbm4b:s18+s2] =	stream.linear.scatter [tilespmem:s6], [sflag:$0x3], $0x4000, $0x38;
	[tilespmem:$0x8800] =	vst v63  }
0x5e: {  	_ =	swait.ge [sflag:s3], $0x4000  }
0x5f: {  	[sflag:s3] =	ssyncset.done $0x0  }
0x60: {  	s18 =	simm.s32 $0x500;
	[sflag:s3] =	ssyncadd.s32 $0xFFFFC000  }
0x61: {  	[tilespmem:s6], [sflag:$0x1] =	stream.indirect.gather [hbm4b:s4+s5], $0x80, s18, s5, $0xb8;
	[tilespmem:$0x8800] =	vst v63  }
0x62: {  	_ =	swait.ge [sflag:s10], $0x4000  }
0x63: {  	[sflag:s10] =	ssyncset.done $0x0  }
0x64: {  	s19 =	sadd.s32 $0x9800, s31;
	[sflag:s10] =	ssyncadd.s32 $0xFFFFC000  }
0x65: {  	[hbm4b:s19+s2] =	stream.linear.scatter [tilespmem:s7], [sflag:$0x3], $0x4000, $0x38;
	[tilespmem:$0x8800] =	vst v63  }
0x66: {  	_ =	swait.ge [sflag:s3], $0x4000  }
0x67: {  	[sflag:s3] =	ssyncset.done $0x0  }
0x68: {  	s20 =	simm.s32 $0x580;
	[sflag:s3] =	ssyncadd.s32 $0xFFFFC000  }
0x69: {  	[tilespmem:s7], [sflag:$0x2] =	stream.indirect.gather [hbm4b:s4+s5], $0x80, s20, s5, $0xb8;
	[tilespmem:$0x8800] =	vst v63  }
0x6a: {  	_ =	swait.ge [sflag:s8], $0x4000  }
0x6b: {  	[sflag:s8] =	ssyncset.done $0x0  }
0x6c: {  	s21 =	sadd.s32 $0xA000, s31;
	[sflag:s8] =	ssyncadd.s32 $0xFFFFC000  }
0x6d: {  	[hbm4b:s21+s2] =	stream.linear.scatter [tilespmem:s6], [sflag:$0x3], $0x4000, $0x38;
	[tilespmem:$0x8800] =	vst v63  }
0x6e: {  	_ =	swait.ge [sflag:s3], $0x4000  }
0x6f: {  	[sflag:s3] =	ssyncset.done $0x0  }
0x70: {  	s22 =	simm.s32 $0x600;
	[sflag:s3] =	ssyncadd.s32 $0xFFFFC000  }
0x71: {  	[tilespmem:s6], [sflag:$0x1] =	stream.indirect.gather [hbm4b:s4+s5], $0x80, s22, s5, $0xb8;
	[tilespmem:$0x8800] =	vst v63  }
0x72: {  	_ =	swait.ge [sflag:s10], $0x4000  }
0x73: {  	[sflag:s10] =	ssyncset.done $0x0  }
0x74: {  	s23 =	sadd.s32 $0xA800, s31;
	[sflag:s10] =	ssyncadd.s32 $0xFFFFC000  }
0x75: {  	[hbm4b:s23+s2] =	stream.linear.scatter [tilespmem:s7], [sflag:$0x3], $0x4000, $0x38;
	[tilespmem:$0x8800] =	vst v63  }
0x76: {  	_ =	swait.ge [sflag:s3], $0x4000  }
0x77: {  	[sflag:s3] =	ssyncset.done $0x0  }
0x78: {  	s24 =	simm.s32 $0x680;
	[sflag:s3] =	ssyncadd.s32 $0xFFFFC000  }
0x79: {  	[tilespmem:s7], [sflag:$0x2] =	stream.indirect.gather [hbm4b:s4+s5], $0x80, s24, s5, $0xb8;
	[tilespmem:$0x8800] =	vst v63  }
0x7a: {  	_ =	swait.ge [sflag:s8], $0x4000  }
0x7b: {  	[sflag:s8] =	ssyncset.done $0x0  }
0x7c: {  	s25 =	sadd.s32 $0xB000, s31;
	[sflag:s8] =	ssyncadd.s32 $0xFFFFC000  }
0x7d: {  	[hbm4b:s25+s2] =	stream.linear.scatter [tilespmem:s6], [sflag:$0x3], $0x4000, $0x38;
	[tilespmem:$0x8800] =	vst v63  }
0x7e: {  	_ =	swait.ge [sflag:s3], $0x4000  }
0x7f: {  	[sflag:s3] =	ssyncset.done $0x0  }
0x80: {  	s26 =	simm.s32 $0x700;
	[sflag:s3] =	ssyncadd.s32 $0xFFFFC000  }
0x81: {  	[tilespmem:s6], [sflag:$0x1] =	stream.indirect.gather [hbm4b:s4+s5], $0x80, s26, s5, $0xb8;
	[tilespmem:$0x8800] =	vst v63  }
0x82: {  	_ =	swait.ge [sflag:s10], $0x4000  }
0x83: {  	[sflag:s10] =	ssyncset.done $0x0  }
0x84: {  	s28 =	sadd.s32 $0xB800, s31;
	[sflag:s10] =	ssyncadd.s32 $0xFFFFC000  }
0x85: {  	[hbm4b:s28+s2] =	stream.linear.scatter [tilespmem:s7], [sflag:$0x3], $0x4000, $0x38;
	[tilespmem:$0x8800] =	vst v63  }
0x86: {  	_ =	swait.ge [sflag:s3], $0x4000  }
0x87: {  	[sflag:s3] =	ssyncset.done $0x0  }
0x88: {  	s29 =	simm.s32 $0x780;
	[sflag:s3] =	ssyncadd.s32 $0xFFFFC000  }
0x89: {  	[tilespmem:s7], [sflag:$0x2] =	stream.indirect.gather [hbm4b:s4+s5], $0x80, s29, s5, $0xb8;
	[tilespmem:$0x8800] =	vst v63  }
0x8a: {  	_ =	swait.ge [sflag:s8], $0x4000  }
0x8b: {  	s1 =	ssub.s32 $0x2, s1;
	[sflag:s8] =	ssyncset.done $0x0  }
0x8c: {  	s0 =	sshrl.u32 s1, $0x1;
	s30 =	sadd.s32 $0xC000, s31;
	[sflag:s8] =	ssyncadd.s32 $0xFFFFC000  }
0x8d: {  	[hbm4b:s30+s2] =	stream.linear.scatter [tilespmem:s6], [sflag:$0x3], $0x4000, $0x38;
	[tilespmem:$0x8800] =	vst v63  }
0x8e: {  	s0 =	ssub.s32 s1, s0;
	_ =	swait.ge [sflag:s3], $0x4000  }
0x8f: {  	s0 =	smax.u32 s0, $0x1;
	[sflag:s3] =	ssyncset.done $0x0  }
0x90: {  	p0 =	sne.s32 s0, $0x1;
	[sflag:s3] =	ssyncadd.s32 $0xFFFFC000  }
.Ltmp0:
0x91: {  	_ =	swait.ge [sflag:s10], $0x4000;
	(pc) =	sbr.rel @!p0 .LBB2_2-.Ltmp0, $4  }
0x92: {  	[sflag:s10] =	ssyncset.done $0x0  }
0x93: {  	s31 =	sadd.s32 $0xC800, s31;
	[sflag:s10] =	ssyncadd.s32 $0xFFFFC000  }
0x94: {  	[hbm4b:s31+s2] =	stream.linear.scatter [tilespmem:s7], [sflag:$0x3], $0x4000, $0x38;
	[tilespmem:$0x8800] =	vst v63  }
0x95: {  	s1 =	sadd.s32 $0xFFFFFFFF, s0;
	_ =	swait.ge [sflag:s3], $0x4000  }
.LBB2_1:
0x96: {  	[sflag:s3] =	ssyncset.done $0x0  }
0x97: {  	s0 =	rddreg [dreg:$0x2];
	[sflag:s3] =	ssyncadd.s32 $0xFFFFC000  }
0x98: {  	[tilespmem:s2], [sflag:$0x3] =	stream.linear.gather [hbm4b:s0+s2], $0x800, $0x38;
	[tilespmem:$0x8800] =	vst v63  }
0x99: {  	_ =	swait.ge [sflag:s3], $0x800  }
0x9a: {  	[sflag:s3] =	ssyncset.done $0x0  }
0x9b: {  	[sflag:s3] =	ssyncadd.s32 $0xFFFFF800  }
0x9c: {  	[tilespmem:s6], [sflag:$0x1] =	stream.indirect.gather [hbm4b:s4+s5], $0x80, s2, s5, $0xb8;
	[tilespmem:$0x8800] =	vst v63  }
0x9d: {  	_ = 	snop  }
0x9e: {  	[tilespmem:s7], [sflag:$0x2] =	stream.indirect.gather [hbm4b:s4+s5], $0x80, s5, s5, $0xb8;
	[tilespmem:$0x8800] =	vst v63  }
0x9f: {  	_ =	swait.ge [sflag:s8], $0x4000  }
0xa0: {  	[sflag:s8] =	ssyncset.done $0x0  }
0xa1: {  	s0 =	rddreg [dreg:$0x3];
	[sflag:s8] =	ssyncadd.s32 $0xFFFFC000  }
0xa2: {  	[hbm4b:s0+s2] =	stream.linear.scatter [tilespmem:s6], [sflag:$0x3], $0x4000, $0x38;
	[tilespmem:$0x8800] =	vst v63  }
0xa3: {  	_ =	swait.ge [sflag:s3], $0x4000  }
0xa4: {  	[sflag:s3] =	ssyncset.done $0x0  }
0xa5: {  	[sflag:s3] =	ssyncadd.s32 $0xFFFFC000  }
0xa6: {  	[tilespmem:s6], [sflag:$0x1] =	stream.indirect.gather [hbm4b:s4+s5], $0x80, s9, s5, $0xb8;
	[tilespmem:$0x8800] =	vst v63  }
0xa7: {  	_ =	swait.ge [sflag:s10], $0x4000  }
0xa8: {  	[sflag:s10] =	ssyncset.done $0x0  }
0xa9: {  	s0 =	rddreg [dreg:$0x4];
	[sflag:s10] =	ssyncadd.s32 $0xFFFFC000  }
0xaa: {  	[hbm4b:s0+s2] =	stream.linear.scatter [tilespmem:s7], [sflag:$0x3], $0x4000, $0x38;
	[tilespmem:$0x8800] =	vst v63  }
0xab: {  	_ =	swait.ge [sflag:s3], $0x4000  }
0xac: {  	[sflag:s3] =	ssyncset.done $0x0  }
0xad: {  	[sflag:s3] =	ssyncadd.s32 $0xFFFFC000  }
0xae: {  	[tilespmem:s7], [sflag:$0x2] =	stream.indirect.gather [hbm4b:s4+s5], $0x80, s11, s5, $0xb8;
	[tilespmem:$0x8800] =	vst v63  }
0xaf: {  	_ =	swait.ge [sflag:s8], $0x4000  }
0xb0: {  	[sflag:s8] =	ssyncset.done $0x0  }
0xb1: {  	s0 =	rddreg [dreg:$0x5];
	[sflag:s8] =	ssyncadd.s32 $0xFFFFC000  }
0xb2: {  	[hbm4b:s0+s2] =	stream.linear.scatter [tilespmem:s6], [sflag:$0x3], $0x4000, $0x38;
	[tilespmem:$0x8800] =	vst v63  }
0xb3: {  	_ =	swait.ge [sflag:s3], $0x4000  }
0xb4: {  	[sflag:s3] =	ssyncset.done $0x0  }
0xb5: {  	[sflag:s3] =	ssyncadd.s32 $0xFFFFC000  }
0xb6: {  	[tilespmem:s6], [sflag:$0x1] =	stream.indirect.gather [hbm4b:s4+s5], $0x80, s12, s5, $0xb8;
	[tilespmem:$0x8800] =	vst v63  }
0xb7: {  	_ =	swait.ge [sflag:s10], $0x4000  }
0xb8: {  	[sflag:s10] =	ssyncset.done $0x0  }
0xb9: {  	s0 =	rddreg [dreg:$0x6];
	[sflag:s10] =	ssyncadd.s32 $0xFFFFC000  }
0xba: {  	[hbm4b:s0+s2] =	stream.linear.scatter [tilespmem:s7], [sflag:$0x3], $0x4000, $0x38;
	[tilespmem:$0x8800] =	vst v63  }
0xbb: {  	_ =	swait.ge [sflag:s3], $0x4000  }
0xbc: {  	[sflag:s3] =	ssyncset.done $0x0  }
0xbd: {  	[sflag:s3] =	ssyncadd.s32 $0xFFFFC000  }
0xbe: {  	[tilespmem:s7], [sflag:$0x2] =	stream.indirect.gather [hbm4b:s4+s5], $0x80, s13, s5, $0xb8;
	[tilespmem:$0x8800] =	vst v63  }
0xbf: {  	_ =	swait.ge [sflag:s8], $0x4000  }
0xc0: {  	[sflag:s8] =	ssyncset.done $0x0  }
0xc1: {  	s0 =	rddreg [dreg:$0x7];
	[sflag:s8] =	ssyncadd.s32 $0xFFFFC000  }
0xc2: {  	[hbm4b:s0+s2] =	stream.linear.scatter [tilespmem:s6], [sflag:$0x3], $0x4000, $0x38;
	[tilespmem:$0x8800] =	vst v63  }
0xc3: {  	_ =	swait.ge [sflag:s3], $0x4000  }
0xc4: {  	[sflag:s3] =	ssyncset.done $0x0  }
0xc5: {  	[sflag:s3] =	ssyncadd.s32 $0xFFFFC000  }
0xc6: {  	[tilespmem:s6], [sflag:$0x1] =	stream.indirect.gather [hbm4b:s4+s5], $0x80, s14, s5, $0xb8;
	[tilespmem:$0x8800] =	vst v63  }
0xc7: {  	_ =	swait.ge [sflag:s10], $0x4000  }
0xc8: {  	[sflag:s10] =	ssyncset.done $0x0  }
0xc9: {  	s0 =	rddreg [dreg:$0x8];
	[sflag:s10] =	ssyncadd.s32 $0xFFFFC000  }
0xca: {  	[hbm4b:s0+s2] =	stream.linear.scatter [tilespmem:s7], [sflag:$0x3], $0x4000, $0x38;
	[tilespmem:$0x8800] =	vst v63  }
0xcb: {  	_ =	swait.ge [sflag:s3], $0x4000  }
0xcc: {  	[sflag:s3] =	ssyncset.done $0x0  }
0xcd: {  	[sflag:s3] =	ssyncadd.s32 $0xFFFFC000  }
0xce: {  	[tilespmem:s7], [sflag:$0x2] =	stream.indirect.gather [hbm4b:s4+s5], $0x80, s15, s5, $0xb8;
	[tilespmem:$0x8800] =	vst v63  }
0xcf: {  	_ =	swait.ge [sflag:s8], $0x4000  }
0xd0: {  	[sflag:s8] =	ssyncset.done $0x0  }
0xd1: {  	s0 =	rddreg [dreg:$0x9];
	[sflag:s8] =	ssyncadd.s32 $0xFFFFC000  }
0xd2: {  	[hbm4b:s0+s2] =	stream.linear.scatter [tilespmem:s6], [sflag:$0x3], $0x4000, $0x38;
	[tilespmem:$0x8800] =	vst v63  }
0xd3: {  	_ =	swait.ge [sflag:s3], $0x4000  }
0xd4: {  	[sflag:s3] =	ssyncset.done $0x0  }
0xd5: {  	[sflag:s3] =	ssyncadd.s32 $0xFFFFC000  }
0xd6: {  	[tilespmem:s6], [sflag:$0x1] =	stream.indirect.gather [hbm4b:s4+s5], $0x80, s16, s5, $0xb8;
	[tilespmem:$0x8800] =	vst v63  }
0xd7: {  	_ =	swait.ge [sflag:s10], $0x4000  }
0xd8: {  	[sflag:s10] =	ssyncset.done $0x0  }
0xd9: {  	s0 =	rddreg [dreg:$0xa];
	[sflag:s10] =	ssyncadd.s32 $0xFFFFC000  }
0xda: {  	[hbm4b:s0+s2] =	stream.linear.scatter [tilespmem:s7], [sflag:$0x3], $0x4000, $0x38;
	[tilespmem:$0x8800] =	vst v63  }
0xdb: {  	_ =	swait.ge [sflag:s3], $0x4000  }
0xdc: {  	[sflag:s3] =	ssyncset.done $0x0  }
0xdd: {  	[sflag:s3] =	ssyncadd.s32 $0xFFFFC000  }
0xde: {  	[tilespmem:s7], [sflag:$0x2] =	stream.indirect.gather [hbm4b:s4+s5], $0x80, s17, s5, $0xb8;
	[tilespmem:$0x8800] =	vst v63  }
0xdf: {  	_ =	swait.ge [sflag:s8], $0x4000  }
0xe0: {  	[sflag:s8] =	ssyncset.done $0x0  }
0xe1: {  	s0 =	rddreg [dreg:$0xb];
	[sflag:s8] =	ssyncadd.s32 $0xFFFFC000  }
0xe2: {  	[hbm4b:s0+s2] =	stream.linear.scatter [tilespmem:s6], [sflag:$0x3], $0x4000, $0x38;
	[tilespmem:$0x8800] =	vst v63  }
0xe3: {  	_ =	swait.ge [sflag:s3], $0x4000  }
0xe4: {  	[sflag:s3] =	ssyncset.done $0x0  }
0xe5: {  	[sflag:s3] =	ssyncadd.s32 $0xFFFFC000  }
0xe6: {  	[tilespmem:s6], [sflag:$0x1] =	stream.indirect.gather [hbm4b:s4+s5], $0x80, s18, s5, $0xb8;
	[tilespmem:$0x8800] =	vst v63  }
0xe7: {  	_ =	swait.ge [sflag:s10], $0x4000  }
0xe8: {  	[sflag:s10] =	ssyncset.done $0x0  }
0xe9: {  	[sflag:s10] =	ssyncadd.s32 $0xFFFFC000  }
0xea: {  	[hbm4b:s19+s2] =	stream.linear.scatter [tilespmem:s7], [sflag:$0x3], $0x4000, $0x38;
	[tilespmem:$0x8800] =	vst v63  }
0xeb: {  	_ =	swait.ge [sflag:s3], $0x4000  }
0xec: {  	[sflag:s3] =	ssyncset.done $0x0  }
0xed: {  	[sflag:s3] =	ssyncadd.s32 $0xFFFFC000  }
0xee: {  	[tilespmem:s7], [sflag:$0x2] =	stream.indirect.gather [hbm4b:s4+s5], $0x80, s20, s5, $0xb8;
	[tilespmem:$0x8800] =	vst v63  }
0xef: {  	_ =	swait.ge [sflag:s8], $0x4000  }
0xf0: {  	[sflag:s8] =	ssyncset.done $0x0  }
0xf1: {  	[sflag:s8] =	ssyncadd.s32 $0xFFFFC000  }
0xf2: {  	[hbm4b:s21+s2] =	stream.linear.scatter [tilespmem:s6], [sflag:$0x3], $0x4000, $0x38;
	[tilespmem:$0x8800] =	vst v63  }
0xf3: {  	_ =	swait.ge [sflag:s3], $0x4000  }
0xf4: {  	[sflag:s3] =	ssyncset.done $0x0  }
0xf5: {  	[sflag:s3] =	ssyncadd.s32 $0xFFFFC000  }
0xf6: {  	[tilespmem:s6], [sflag:$0x1] =	stream.indirect.gather [hbm4b:s4+s5], $0x80, s22, s5, $0xb8;
	[tilespmem:$0x8800] =	vst v63  }
0xf7: {  	_ =	swait.ge [sflag:s10], $0x4000  }
0xf8: {  	[sflag:s10] =	ssyncset.done $0x0  }
0xf9: {  	[sflag:s10] =	ssyncadd.s32 $0xFFFFC000  }
0xfa: {  	[hbm4b:s23+s2] =	stream.linear.scatter [tilespmem:s7], [sflag:$0x3], $0x4000, $0x38;
	[tilespmem:$0x8800] =	vst v63  }
0xfb: {  	_ =	swait.ge [sflag:s3], $0x4000  }
0xfc: {  	[sflag:s3] =	ssyncset.done $0x0  }
0xfd: {  	[sflag:s3] =	ssyncadd.s32 $0xFFFFC000  }
0xfe: {  	[tilespmem:s7], [sflag:$0x2] =	stream.indirect.gather [hbm4b:s4+s5], $0x80, s24, s5, $0xb8;
	[tilespmem:$0x8800] =	vst v63  }
0xff: {  	_ =	swait.ge [sflag:s8], $0x4000  }
0x100: {  	[sflag:s8] =	ssyncset.done $0x0  }
0x101: {  	[sflag:s8] =	ssyncadd.s32 $0xFFFFC000  }
0x102: {  	[hbm4b:s25+s2] =	stream.linear.scatter [tilespmem:s6], [sflag:$0x3], $0x4000, $0x38;
	[tilespmem:$0x8800] =	vst v63  }
0x103: {  	_ =	swait.ge [sflag:s3], $0x4000  }
0x104: {  	[sflag:s3] =	ssyncset.done $0x0  }
0x105: {  	[sflag:s3] =	ssyncadd.s32 $0xFFFFC000  }
0x106: {  	[tilespmem:s6], [sflag:$0x1] =	stream.indirect.gather [hbm4b:s4+s5], $0x80, s26, s5, $0xb8;
	[tilespmem:$0x8800] =	vst v63  }
0x107: {  	_ =	swait.ge [sflag:s10], $0x4000  }
0x108: {  	[sflag:s10] =	ssyncset.done $0x0  }
0x109: {  	[sflag:s10] =	ssyncadd.s32 $0xFFFFC000  }
0x10a: {  	[hbm4b:s28+s2] =	stream.linear.scatter [tilespmem:s7], [sflag:$0x3], $0x4000, $0x38;
	[tilespmem:$0x8800] =	vst v63  }
0x10b: {  	_ =	swait.ge [sflag:s3], $0x4000  }
0x10c: {  	[sflag:s3] =	ssyncset.done $0x0  }
0x10d: {  	[sflag:s3] =	ssyncadd.s32 $0xFFFFC000  }
0x10e: {  	[tilespmem:s7], [sflag:$0x2] =	stream.indirect.gather [hbm4b:s4+s5], $0x80, s29, s5, $0xb8;
	[tilespmem:$0x8800] =	vst v63  }
0x10f: {  	_ =	swait.ge [sflag:s8], $0x4000  }
0x110: {  	[sflag:s8] =	ssyncset.done $0x0  }
0x111: {  	[sflag:s8] =	ssyncadd.s32 $0xFFFFC000  }
0x112: {  	[hbm4b:s30+s2] =	stream.linear.scatter [tilespmem:s6], [sflag:$0x3], $0x4000, $0x38;
	[tilespmem:$0x8800] =	vst v63  }
0x113: {  	_ =	swait.ge [sflag:s3], $0x4000  }
0x114: {  	[sflag:s3] =	ssyncset.done $0x0  }
0x115: {  	p0 =	sne.s32 s1, $0x1;
	[sflag:s3] =	ssyncadd.s32 $0xFFFFC000  }
.Ltmp1:
0x116: {  	_ =	swait.ge [sflag:s10], $0x4000;
	(pc) =	sbr.rel @p0 .LBB2_1-.Ltmp1, $4  }
0x117: {  	[sflag:s10] =	ssyncset.done $0x0  }
0x118: {  	[sflag:s10] =	ssyncadd.s32 $0xFFFFC000  }
0x119: {  	[hbm4b:s31+s2] =	stream.linear.scatter [tilespmem:s7], [sflag:$0x3], $0x4000, $0x38;
	[tilespmem:$0x8800] =	vst v63  }
0x11a: {  	s1 =	sadd.s32 $0xFFFFFFFF, s1;
	_ =	swait.ge [sflag:s3], $0x4000  }
.LBB2_2:
0x11b: {  	[sflag:s3] =	ssyncset.done $0x0  }
0x11c: {  	[sflag:s3] =	ssyncadd.s32 $0xFFFFC000  }
0x11d: {  	_ =	sfence.sel $0x180000  }
0x11e: {  	[bflag:$0x0] =	sbarrier.arrive $0xFFFF  }
0x11f: {  	_ =	strace $0x90000047  }
0x120: {  	s0 =	stileid.u32;
	[bflag:$0x2] =	sbarrier.arrive $0xFFFF  }
0x121: {  	p0 =	sne.s32 s0, $0x0;
	s0 =	rddreg [dreg:$0x1]  }
0x122: {  	s0 =	sadd.s32 @!p0 $0x100000, s0  }
0x123: {  	[sflag:s0] =	ssyncadd.tile.s32 @!p0 $0x1;
	_ =	shalt  }
.Lfunc_end2:
_tile_overlayer_lowered:
.L_overlay_start_2:
0x124: {  	(tag) =	ssettag $0x2  }
0x125: {  	s0 =	rddreg [dreg:$0x0];
	s2 =	stileid.u32  }
0x126: {  	s1 =	rddreg [dreg:$0x1];
	p0 =	sne.s32 s2, $0x0  }
0x127: {  	s3 =	rddreg [dreg:$0x2];
	[bflag:$0x3] =	sbarrier.arrive $0xFFFF;
	s2 =	simm.s32 @!p0 $0x1C03  }
0x128: {  	[timem:s3], [sflag:s2] =	dma.local @!p0 [hbm:s0], s1  }
0x129: {  	s0 =	simm.s32 @!p0 $0x3  }
0x12a: {  	_ =	swait.ge @!p0 [sflag:s0], s1  }
0x12b: {  	s1 =	ssub.s32 @!p0 $0x0, s1;
	[sflag:s0] =	ssyncset.done @!p0 $0x0  }
0x12c: {  	[sflag:s0] =	ssyncadd.s32 @!p0 s1  }
0x12d: {  	[bflag:$0x3] =	sbarrier.arrive $0xFFFF  }
0x12e: {  	_ =	shalt  }

</sc_bundles>
